<compile_context>
chip_gen: v7x
topology: tpu7x:2x2x1
jax: 0.10.2.dev20260603
libtpu: 0.0.44.dev20260713+nightly
codegen_flags: <defaults>
</compile_context>

<pallas_src>
import math
import functools

import jax
import jax.numpy as jnp
from jax.experimental import pallas as pl
from jax.experimental.pallas import tpu as pltpu
from jax.experimental.pallas import tpu_sc as plsc

bf16 = jnp.bfloat16
f32 = jnp.float32


def _pos_gather(pos_table, pos_row):
    n = pos_row.shape[1]
    d0 = pos_table.shape[1]
    pos_table = jnp.pad(pos_table, ((0, 0), (0, 128 - d0)))
    d = 128
    win = 128
    mesh = plsc.VectorSubcoreMesh(core_axis_name="core",
                                  subcore_axis_name="subcore")

    @pl.kernel(out_type=jax.ShapeDtypeStruct((n, d), pos_table.dtype),
               mesh=mesh)
    def kern(pt_hbm, i_hbm, o_hbm):
        def body(i_vmem, o_vmem):
            pltpu.sync_copy(pt_hbm.at[i_vmem.at[0]], o_vmem)

        pltpu.emit_pipeline(
            body,
            grid=(n // win,),
            in_specs=[pl.BlockSpec((1, win), index_map=lambda i: (0, i))],
            out_specs=[pl.BlockSpec((win, d), index_map=lambda i: (i, 0))],
            core_axis_name="subcore",
            dimension_semantics=(pltpu.PARALLEL,),
        )(i_hbm, o_hbm)

    return kern(pos_table, pos_row)[:, :d0]


def _ctx_kernel(x_ref, cw1_ref, cb1_ref, cw2_ref, cb2_ref,
                mw1_ref, mw3_ref, mw2_ref,
                ctx_ref, nc_ref, mw1b_ref, mw3b_ref, mw2b_ref, cw1b_ref,
                *, n_rows):
    i = pl.program_id(0)
    mw1b_ref[...] = mw1_ref[...].astype(bf16)
    mw3b_ref[...] = mw3_ref[...].astype(bf16)
    mw2b_ref[...] = mw2_ref[...].astype(bf16)

    @pl.when(i == 0)
    def _():
        cw1b_ref[...] = cw1_ref[...].astype(bf16)

    h = jnp.dot(x_ref[...].astype(bf16), cw1b_ref[...],
                preferred_element_type=f32) + cb1_ref[...]
    h = 0.5 * h * (1.0 + jax.lax.erf(h * (2.0 ** -0.5)))
    ctx = jnp.dot(h.astype(bf16), cw2_ref[...].astype(bf16),
                  preferred_element_type=f32) + cb2_ref[...]
    ctx_ref[...] = ctx

    @pl.when(i == 0)
    def _():
        nc_ref[...] = jnp.zeros_like(nc_ref)

    nc_ref[...] += jnp.sum(ctx, axis=0, keepdims=True) * (1.0 / n_rows)


def _gate_kernel(x_ref, ctx_ref, pe_ref, gnorm_ref, mw1_ref, mw3_ref, mw2_ref,
                 gproj_ref, load_ref, temp_ref, prio_ref,
                 ts_ref, ti_ref, ssum_ref, ncp_ref, *, n_rows):
    i = pl.program_id(0)
    pe = pe_ref[...]
    gcat = jnp.concatenate([x_ref[...], ctx_ref[...], pe], axis=1)
    ms = jnp.mean(gcat * gcat, axis=1, keepdims=True)
    gi = gcat * jax.lax.rsqrt(ms + 1e-6) * gnorm_ref[...]
    gib = gi.astype(bf16)
    hid = mw1_ref.shape[1]
    hc = hid // 4
    m = None
    for c in range(4):
        cs = slice(c * hc, (c + 1) * hc)
        h1 = jnp.dot(gib, mw1_ref[:, cs], preferred_element_type=f32)
        h3 = jnp.dot(gib, mw3_ref[:, cs], preferred_element_type=f32)
        hp = (jax.nn.silu(h1) * h3).astype(bf16)
        mc = jnp.dot(hp, mw2_ref[cs, :], preferred_element_type=f32)
        m = mc if m is None else m + mc
    gh = m + gi
    logits = jnp.dot(gh.astype(bf16), gproj_ref[...].astype(bf16),
                     preferred_element_type=f32) + jnp.log(prio_ref[...])
    load = load_ref[...]
    lmean = jnp.mean(load)
    lstd = jnp.sqrt(jnp.mean((load - lmean) ** 2))
    imb = lstd / (lmean + 1e-6)
    temp = jnp.maximum(temp_ref[0, 0] * (1.0 + imb), 0.3)
    lt = logits / temp
    lmax = jnp.max(lt, axis=1, keepdims=True)
    ex = jnp.exp(lt - lmax)
    sc = ex / jnp.sum(ex, axis=1, keepdims=True)
    e_iota = jax.lax.broadcasted_iota(jnp.int32, sc.shape, 1)
    i1 = jnp.argmax(sc, axis=1).astype(jnp.int32)
    s1 = jnp.max(sc, axis=1)
    masked = jnp.where(e_iota == i1[:, None], -1.0, sc)
    i2 = jnp.argmax(masked, axis=1).astype(jnp.int32)
    s2 = jnp.max(masked, axis=1)
    ts_ref[...] = jnp.concatenate([s1[:, None], s2[:, None]], axis=1)
    ti_ref[...] = jnp.concatenate([i1[:, None], i2[:, None]], axis=1)

    @pl.when(i == 0)
    def _():
        ssum_ref[...] = jnp.zeros_like(ssum_ref)
        ncp_ref[...] = jnp.zeros_like(ncp_ref)

    ssum_ref[...] += jnp.sum(sc, axis=0, keepdims=True)
    ncp_ref[...] += jnp.sum(pe, axis=0, keepdims=True) * (1.0 / n_rows)


def _dispatch_kernel(ts_ref, ti_ref, tsf_ref, tif_ref, prio_ref, util_ref,
                     ssum_ref, amask_ref, bpos_ref, ovf_ref, cnt_ref, aux_ref,
                     *, n_tok, k, n_exp, base_cap, chunk):
    nk = n_tok * k
    prio_c = jnp.clip(prio_ref[...], 1.0, 2.0)

    def prio_lookup(ev):
        out = jnp.zeros(ev.shape, jnp.float32)
        for v in range(n_exp):
            out = jnp.where(ev == v, prio_c[0, v], out)
        return out

    ef = tif_ref[...]
    wf = tsf_ref[...] * prio_lookup(ef)
    jj = jax.lax.broadcasted_iota(jnp.int32, (1, nk), 1)
    u = jnp.clip(util_ref[...], 0.1, 0.9)
    uf = jnp.mean(1.0 / (u + 0.1))
    capacity = jnp.clip((base_cap * uf).astype(jnp.int32), 4, 2048)
    rank_cols = []
    for kk in range(k):
        e_col = ti_ref[:, kk:kk + 1]
        w_col = ts_ref[:, kk:kk + 1] * prio_lookup(e_col)
        ii = jax.lax.broadcasted_iota(jnp.int32, (n_tok, 1), 0) * k + kk
        parts = []
        for c in range(n_tok // chunk):
            sl = slice(c * chunk, (c + 1) * chunk)
            wi = w_col[sl]
            ei = e_col[sl]
            iic = ii[sl]
            cj0, cj1 = c * chunk * k, (c + 1) * chunk * k
            cnt = jnp.zeros((chunk, 1), jnp.int32)
            if cj0 > 0:
                lo = slice(0, cj0)
                beats = (wf[:, lo] >= wi) & (ef[:, lo] == ei)
                cnt += jnp.sum(beats.astype(jnp.int32), axis=1, keepdims=True)
            if cj1 < nk:
                hi = slice(cj1, nk)
                beats = (wf[:, hi] > wi) & (ef[:, hi] == ei)
                cnt += jnp.sum(beats.astype(jnp.int32), axis=1, keepdims=True)
            dg = slice(cj0, cj1)
            wfd, efd, jjd = wf[:, dg], ef[:, dg], jj[:, dg]
            beats = ((wfd > wi) | ((wfd == wi) & (jjd < iic))) & (efd == ei)
            cnt += jnp.sum(beats.astype(jnp.int32), axis=1, keepdims=True)
            parts.append(cnt)
        rank_cols.append(jnp.concatenate(parts, axis=0))
    rank = jnp.concatenate(rank_cols, axis=1)
    assigned = rank < capacity
    amask_ref[...] = assigned.astype(jnp.int32)
    bpos_ref[...] = jnp.where(assigned, rank, 0).astype(jnp.int32)
    ovf_ref[...] = jnp.logical_not(
        jnp.any(assigned, axis=1, keepdims=True)).astype(jnp.int32)
    e_iota = jax.lax.broadcasted_iota(jnp.int32, (1, n_exp), 1)
    n_e = jnp.zeros((1, n_exp), jnp.int32)
    for kk in range(k):
        n_e += jnp.sum((ti_ref[:, kk:kk + 1] == e_iota).astype(jnp.int32),
                       axis=0, keepdims=True)
    ecnt = jnp.minimum(n_e, capacity)
    cnt_ref[...] = ecnt
    me = ssum_ref[...] * (1.0 / n_tok)
    ce = ecnt.astype(jnp.float32) / float(nk)
    aux_ref[...] = 0.01 * n_exp * jnp.sum(me * ce, keepdims=True).reshape(1, 1)


def kernel(x, positions, cw1, cb1, cw2, cb2, gnorm_w, mw1, mw2, mw3, gproj_w,
           pos_table, temperature, expert_load, expert_utilization,
           expert_priority):
    B, S, H = x.shape
    N = B * S
    E = gproj_w.shape[1]
    K = 2
    CTXF = cw2.shape[1] + pos_table.shape[1]
    GATE_DIM = gproj_w.shape[0]

    CTXD = cw2.shape[1]
    PED = pos_table.shape[1]
    x_flat = x.reshape(N, H)
    pos_row = positions.reshape(1, N).astype(jnp.int32)
    HID = mw1.shape[1]

    pe = _pos_gather(pos_table, pos_row)

    TRA = 256
    nblk = N // TRA
    hid_c = HID // nblk
    m2r_c = mw2.shape[0] // nblk
    ctx, ncc, mw1b, mw3b, mw2b, _cw1b = pl.pallas_call(
        functools.partial(_ctx_kernel, n_rows=N),
        grid=(nblk,),
        in_specs=[
            pl.BlockSpec((TRA, H), lambda i: (i, 0)),
            pl.BlockSpec(cw1.shape, lambda i: (0, 0)),
            pl.BlockSpec((1, cb1.shape[0]), lambda i: (0, 0)),
            pl.BlockSpec(cw2.shape, lambda i: (0, 0)),
            pl.BlockSpec((1, cb2.shape[0]), lambda i: (0, 0)),
            pl.BlockSpec((GATE_DIM, hid_c), lambda i: (0, i)),
            pl.BlockSpec((GATE_DIM, hid_c), lambda i: (0, i)),
            pl.BlockSpec((m2r_c, GATE_DIM), lambda i: (i, 0)),
        ],
        out_specs=[
            pl.BlockSpec((TRA, CTXD), lambda i: (i, 0)),
            pl.BlockSpec((1, CTXD), lambda i: (0, 0)),
            pl.BlockSpec((GATE_DIM, hid_c), lambda i: (0, i)),
            pl.BlockSpec((GATE_DIM, hid_c), lambda i: (0, i)),
            pl.BlockSpec((m2r_c, GATE_DIM), lambda i: (i, 0)),
            pl.BlockSpec(cw1.shape, lambda i: (0, 0)),
        ],
        out_shape=[
            jax.ShapeDtypeStruct((N, CTXD), f32),
            jax.ShapeDtypeStruct((1, CTXD), f32),
            jax.ShapeDtypeStruct(mw1.shape, bf16),
            jax.ShapeDtypeStruct(mw3.shape, bf16),
            jax.ShapeDtypeStruct(mw2.shape, bf16),
            jax.ShapeDtypeStruct(cw1.shape, bf16),
        ],
    )(x_flat, cw1, cb1.reshape(1, -1), cw2, cb2.reshape(1, -1),
      mw1, mw3, mw2)

    TRB = 512
    ts, ti, ssum, ncp = pl.pallas_call(
        functools.partial(_gate_kernel, n_rows=N),
        grid=(N // TRB,),
        in_specs=[
            pl.BlockSpec((TRB, H), lambda i: (i, 0)),
            pl.BlockSpec((TRB, CTXD), lambda i: (i, 0)),
            pl.BlockSpec((TRB, PED), lambda i: (i, 0)),
            pl.BlockSpec((1, GATE_DIM), lambda i: (0, 0)),
            pl.BlockSpec(mw1.shape, lambda i: (0, 0)),
            pl.BlockSpec(mw3.shape, lambda i: (0, 0)),
            pl.BlockSpec(mw2.shape, lambda i: (0, 0)),
            pl.BlockSpec(gproj_w.shape, lambda i: (0, 0)),
            pl.BlockSpec((1, E), lambda i: (0, 0)),
            pl.BlockSpec((1, 1), lambda i: (0, 0)),
            pl.BlockSpec((1, E), lambda i: (0, 0)),
        ],
        out_specs=[
            pl.BlockSpec((TRB, K), lambda i: (i, 0)),
            pl.BlockSpec((TRB, K), lambda i: (i, 0)),
            pl.BlockSpec((1, E), lambda i: (0, 0)),
            pl.BlockSpec((1, PED), lambda i: (0, 0)),
        ],
        out_shape=[
            jax.ShapeDtypeStruct((N, K), f32),
            jax.ShapeDtypeStruct((N, K), jnp.int32),
            jax.ShapeDtypeStruct((1, E), f32),
            jax.ShapeDtypeStruct((1, PED), f32),
        ],
    )(x_flat, ctx, pe, gnorm_w.reshape(1, -1), mw1b, mw3b, mw2b, gproj_w,
      expert_load.reshape(1, -1), temperature.reshape(1, 1),
      expert_priority.reshape(1, -1))

    base_cap = float(math.ceil(N * 1.25 / E))
    amask, bpos, ovf, ecnt, aux = pl.pallas_call(
        functools.partial(_dispatch_kernel, n_tok=N, k=K, n_exp=E,
                          base_cap=base_cap, chunk=512),
        grid=(1,),
        in_specs=[
            pl.BlockSpec((N, K), lambda i: (0, 0)),
            pl.BlockSpec((N, K), lambda i: (0, 0)),
            pl.BlockSpec((1, N * K), lambda i: (0, 0)),
            pl.BlockSpec((1, N * K), lambda i: (0, 0)),
            pl.BlockSpec((1, E), lambda i: (0, 0)),
            pl.BlockSpec((1, E), lambda i: (0, 0)),
            pl.BlockSpec((1, E), lambda i: (0, 0)),
        ],
        out_specs=[
            pl.BlockSpec((N, K), lambda i: (0, 0)),
            pl.BlockSpec((N, K), lambda i: (0, 0)),
            pl.BlockSpec((N, 1), lambda i: (0, 0)),
            pl.BlockSpec((1, E), lambda i: (0, 0)),
            pl.BlockSpec((1, 1), lambda i: (0, 0)),
        ],
        out_shape=[
            jax.ShapeDtypeStruct((N, K), jnp.int32),
            jax.ShapeDtypeStruct((N, K), jnp.int32),
            jax.ShapeDtypeStruct((N, 1), jnp.int32),
            jax.ShapeDtypeStruct((1, E), jnp.int32),
            jax.ShapeDtypeStruct((1, 1), f32),
        ],
    )(ts, ti, ts.reshape(1, N * K), ti.reshape(1, N * K),
      expert_priority.reshape(1, -1),
      expert_utilization.reshape(1, -1), ssum)

    nc = jnp.concatenate([ncc, ncp], axis=1)
    return (ts, ti, amask.astype(bool), bpos, ovf.reshape(N).astype(bool),
            ecnt.reshape(E), aux.reshape(()), nc)

# --- scband reference (transcript-rebuilt; emitter-appended) ---
"""Pipeline reference for scband-byte-context-aware-router-80461917323983 (READ-ONLY COPY).

The authoritative reference and input builder live on the scoring server;
editing this copy changes nothing except your own understanding.
"""

import jax, jax.numpy as jnp
import numpy as np
import math

B, S, H = 1, 2048, 1024
E, K = 16, 2
CTX = 64
POS_VOCAB = 4096
MULT = 256
GATE_DIM = H + CTX + CTX // 2  # actual gate input dim (x + context_net out + pos emb)
_h = 4 * GATE_DIM
_h = int(2 * _h / 3)
HID = MULT * ((_h + MULT - 1) // MULT)
N = B * S


def setup_inputs(seed: int = 0) -> dict:
    key = jax.random.key(seed)
    ks = jax.random.split(key, 12)
    s = 0.02
    return {
        'x': jax.random.normal(ks[0], (B, S, H), jnp.float32),
        'positions': jnp.arange(B * S, dtype=jnp.int32).reshape(B, S),
        'cw1': jax.random.normal(ks[1], (H, 2 * H), jnp.float32) * s,
        'cb1': jnp.zeros((2 * H,), jnp.float32),
        'cw2': jax.random.normal(ks[2], (2 * H, CTX), jnp.float32) * s,
        'cb2': jnp.zeros((CTX,), jnp.float32),
        'gnorm_w': jnp.ones((GATE_DIM,), jnp.float32),
        'mw1': jax.random.normal(ks[3], (GATE_DIM, HID), jnp.float32) * s,
        'mw2': jax.random.normal(ks[4], (HID, GATE_DIM), jnp.float32) * s,
        'mw3': jax.random.normal(ks[5], (GATE_DIM, HID), jnp.float32) * s,
        'gproj_w': jax.random.normal(ks[6], (GATE_DIM, E), jnp.float32) * s,
        'pos_table': jax.random.normal(ks[7], (POS_VOCAB, CTX // 2), jnp.float32) * s,
        'temperature': jnp.array(1.0, jnp.float32),
        'expert_load': jnp.zeros((E,), jnp.float32),
        'expert_utilization': jnp.full((E,), 0.5, jnp.float32),
        'expert_priority': jnp.ones((E,), jnp.float32),
    }


def reference(x, positions, cw1, cb1, cw2, cb2, gnorm_w, mw1, mw2, mw3, gproj_w,
              pos_table, temperature, expert_load, expert_utilization, expert_priority):
    x_flat = x.reshape(N, H)
    pos_emb = pos_table[positions.reshape(-1)]
    ctx = jax.nn.gelu(x_flat @ cw1 + cb1, approximate=False) @ cw2 + cb2
    context_feat = jnp.concatenate([ctx, pos_emb], axis=-1)
    gate_input = jnp.concatenate([x_flat, context_feat], axis=-1)
    # ByteRMSNorm (eps=1e-6)
    gi = gate_input * jax.lax.rsqrt(jnp.mean(gate_input * gate_input, axis=-1, keepdims=True) + 1e-6) * gnorm_w
    # ByteMLP: LLaMA-style SwiGLU, hidden rounded to multiple_of; dropout is identity in eval
    mlp = (jax.nn.silu(gi @ mw1) * (gi @ mw3)) @ mw2
    gate_hidden = mlp + gi
    logits = gate_hidden @ gproj_w + jnp.log(expert_priority)[None, :]
    imb = jnp.std(expert_load) / (jnp.mean(expert_load) + 1e-6)
    temp = temperature * (1.0 + jax.lax.stop_gradient(imb))
    scores = jax.nn.softmax(logits / jnp.clip(temp, 0.3, None), axis=-1)
    topk_scores, topk_idx = jax.lax.top_k(scores, K)
    # dynamic capacity
    base_cap = math.ceil(N * 1.25 / E)
    uf = jnp.mean(1.0 / (jnp.clip(expert_utilization, 0.1, 0.9) + 0.1))
    capacity = jnp.clip((base_cap * uf).astype(jnp.int32), 4, 2048)
    # vectorized greedy dispatch: sort by weight desc, per-expert rank == sequential counter
    flat_e = topk_idx.reshape(-1)
    prio = jnp.clip(expert_priority, 1.0, 2.0)
    flat_w = topk_scores.reshape(-1) * prio[flat_e]
    order = jnp.argsort(-flat_w)
    e_sorted = flat_e[order]
    oh = jax.nn.one_hot(e_sorted, E, dtype=jnp.int32)
    rank_sorted = (jnp.cumsum(oh, axis=0) - oh)[jnp.arange(N * K), e_sorted]
    ranks = jnp.zeros((N * K,), jnp.int32).at[order].set(rank_sorted)
    assigned = ranks < capacity
    slot = jnp.where(assigned, ranks, -1)
    assigned_mask = assigned.reshape(N, K)
    buffer_positions = jnp.clip(slot, 0, None).reshape(N, K)
    overflow_mask = ~assigned_mask.any(axis=-1)
    expert_count = jnp.zeros((E,), jnp.int32).at[flat_e].add(assigned.astype(jnp.int32))
    # Switch-style load balancing aux loss (original helper body truncated)
    me = scores.mean(axis=0)
    ce = expert_count.astype(jnp.float32) / float(N * K)
    aux_loss = 0.01 * E * jnp.sum(me * ce)
    next_context = jax.lax.stop_gradient(context_feat).reshape(B, S, -1).mean(axis=1)
    return (topk_scores, topk_idx, assigned_mask, buffer_positions, overflow_mask, expert_count, aux_loss, next_context)

if __name__ == "__main__":
    import jax
    _d = setup_inputs()
    print(jax.jit(kernel)(*tuple(_d.values())))

</pallas_src>

<mosaic_0001>
#map = affine_map<(d0, d1) -> (0, 0)>
module attributes {stable_mosaic.version = 14 : i64} {
  func.func @kern(%arg0: i32, %arg1: i32, %arg2: memref<4096x128xf32, #tpu.memory_space<hbm>>, %arg3: memref<1x2048xi32, #tpu.memory_space<hbm>>, %arg4: memref<2048x128xf32, #tpu.memory_space<hbm>>) attributes {dimension_semantics = [#tpu.dimension_semantics<core_parallel>, #tpu.dimension_semantics<subcore_parallel>], iteration_bounds = array<i64: 2, 16>, scalar_prefetch = 0 : i64, scratch_operands = 0 : i64, tpu.core_type = #tpu.core_type<sc_vector_subcore>, window_params = [{transform_indices = #map}, {transform_indices = #map}, {transform_indices = #map}]} {
    %mul3A = arith.constant 1 : i32
    %mul3A_0 = arith.muli %arg1, %mul3A : i32
    "tpu.region"() ({
      %run_scoped3A = memref.alloca() : memref<2x1x128xi32, #tpu.memory_space<vmem>>
      %run_scoped3A_1 = tpu.sem_alloc : memref<2x!tpu.dma_semaphore, #tpu.memory_space<semaphore_mem>>
      %run_scoped3A_2 = memref.alloca() : memref<2x128x128xf32, #tpu.memory_space<vmem>>
      %run_scoped3A_3 = tpu.sem_alloc : memref<2x!tpu.dma_semaphore, #tpu.memory_space<semaphore_mem>>
      %add3A = arith.constant 0 : i32
      %add3A_4 = arith.addi %add3A, %mul3A_0 : i32
      %select_n3A = arith.constant true
      %select_n3A_5 = arith.constant 0 : i32
      %select_n3A_6 = arith.constant -1 : i32
      %select_n3A_7 = arith.select %select_n3A, %select_n3A_6, %select_n3A_5 : i32
      %eq3A = arith.constant -1 : i32
      %eq3A_8 = arith.cmpi eq, %select_n3A_7, %eq3A : i32
      %select_n3A_9 = arith.constant 0 : i32
      %select_n3A_10 = arith.select %eq3A_8, %select_n3A_9, %select_n3A_7 : i32
      %add3A_11 = arith.constant 0 : i32
      %add3A_12 = arith.addi %add3A_11, %mul3A_0 : i32
      %select_n3A_13 = arith.constant true
      %select_n3A_14 = arith.constant 0 : i32
      %select_n3A_15 = arith.constant 1 : i32
      %select_n3A_16 = arith.select %select_n3A_13, %select_n3A_15, %select_n3A_14 : i32
      %eq3A_17 = arith.constant 1 : i32
      %eq3A_18 = arith.cmpi eq, %select_n3A_16, %eq3A_17 : i32
      %select_n3A_19 = arith.constant 0 : i32
      %select_n3A_20 = arith.select %eq3A_18, %select_n3A_19, %select_n3A_16 : i32
      %add3A_21 = arith.constant 0 : i32
      %add3A_22 = arith.addi %add3A_21, %mul3A_0 : i32
      %select_n3A_23 = arith.constant true
      %select_n3A_24 = arith.constant 0 : i32
      %select_n3A_25 = arith.constant 1 : i32
      %select_n3A_26 = arith.select %select_n3A_23, %select_n3A_25, %select_n3A_24 : i32
      %eq3A_27 = arith.constant 1 : i32
      %eq3A_28 = arith.cmpi eq, %select_n3A_26, %eq3A_27 : i32
      %select_n3A_29 = arith.constant 0 : i32
      %select_n3A_30 = arith.select %eq3A_28, %select_n3A_29, %select_n3A_26 : i32
      %add3A_31 = arith.constant 0 : i32
      %add3A_32 = arith.addi %add3A_31, %mul3A_0 : i32
      "tpu.trace_start"() <{level = 10 : i32, message = "ep_initialize_0"}> : () -> ()
      %rem3A = arith.constant 0 : i32
      %rem3A_33 = arith.constant 2 : i32
      %rem3A_34 = arith.remui %rem3A, %rem3A_33 : i32
      %mul3A_35 = arith.constant 128 : i32
      %mul3A_36 = arith.muli %mul3A_35, %add3A_4 : i32
      %dma_start3A = arith.constant 0 : i32
      %dma_start3A_37 = arith.constant 0 : i32
      %dma_start3A_38 = tpu.memref_slice %run_scoped3A[%rem3A_34, %dma_start3A, %dma_start3A_37] : memref<2x1x128xi32, #tpu.memory_space<vmem>> -> memref<1x1x128xi32, #tpu.memory_space<vmem>>
      %dma_start3A_39 = tpu.memref_squeeze %dma_start3A_38 : memref<1x1x128xi32, #tpu.memory_space<vmem>> -> memref<1x128xi32, #tpu.memory_space<vmem>>
      %dma_start3A_40 = arith.constant 0 : i32
      %dma_start3A_41 = tpu.memref_slice %arg3[%dma_start3A_40, %mul3A_36] : memref<1x2048xi32, #tpu.memory_space<hbm>> -> memref<1x128xi32, #tpu.memory_space<hbm>>
      %dma_start3A_42 = tpu.memref_slice %run_scoped3A_1[%rem3A_34] : memref<2x!tpu.dma_semaphore, #tpu.memory_space<semaphore_mem>> -> memref<1x!tpu.dma_semaphore, #tpu.memory_space<semaphore_mem>>
      %dma_start3A_43 = tpu.memref_squeeze %dma_start3A_42 : memref<1x!tpu.dma_semaphore, #tpu.memory_space<semaphore_mem>> -> memref<!tpu.dma_semaphore, #tpu.memory_space<semaphore_mem>>
      %dma_start3A_44 = arith.constant 0 : i32
      %dma_start3A_45 = arith.constant 0 : i32
      %dma_start3A_46 = tpu.memref_slice %run_scoped3A[%rem3A_34, %dma_start3A_44, %dma_start3A_45] : memref<2x1x128xi32, #tpu.memory_space<vmem>> -> memref<1x1x128xi32, #tpu.memory_space<vmem>>
      %dma_start3A_47 = tpu.memref_squeeze %dma_start3A_46 : memref<1x1x128xi32, #tpu.memory_space<vmem>> -> memref<1x128xi32, #tpu.memory_space<vmem>>
      %dma_start3A_48 = arith.constant 0 : i32
      %dma_start3A_49 = tpu.memref_slice %arg3[%dma_start3A_48, %mul3A_36] : memref<1x2048xi32, #tpu.memory_space<hbm>> -> memref<1x128xi32, #tpu.memory_space<hbm>>
      tpu.enqueue_dma source(%dma_start3A_49 : memref<1x128xi32, #tpu.memory_space<hbm>>) target(%dma_start3A_47 : memref<1x128xi32, #tpu.memory_space<vmem>>) target_semaphore(%dma_start3A_43 : memref<!tpu.dma_semaphore, #tpu.memory_space<semaphore_mem>>)
      %add3A_50 = arith.constant 0 : i32
      %add3A_51 = arith.constant 1 : i32
      %add3A_52 = arith.addi %add3A_50, %add3A_51 : i32
      %select_n3A_53 = arith.constant true
      %select_n3A_54 = arith.constant 0 : i32
      %select_n3A_55 = arith.select %select_n3A_53, %add3A_52, %select_n3A_54 : i32
      "tpu.trace_stop"() : () -> ()
      %scan3A = arith.constant 0 : i32
      %scan3A_56 = arith.constant 0 : i32
      %scan3A_57 = arith.constant 0 : i32
      %scan3A_58 = arith.constant 0 : i32
      %scan3A_59 = arith.constant 0 : i32
      %eq3A_60 = arith.constant 0 : i32
      %eq3A_61 = arith.cmpi eq, %scan3A_59, %eq3A_60 : i32
      %eq3A_62 = arith.constant 0 : i32
      %eq3A_63 = arith.cmpi eq, %scan3A_59, %eq3A_62 : i32
      %add3A_64 = arith.constant 0 : i32
      %add3A_65 = arith.addi %add3A_64, %mul3A_0 : i32
      %select_n3A_66 = arith.constant true
      %select_n3A_67 = arith.constant 0 : i32
      %select_n3A_68 = arith.constant -1 : i32
      %select_n3A_69 = arith.select %select_n3A_66, %select_n3A_68, %select_n3A_67 : i32
      %eq3A_70 = arith.constant -1 : i32
      %eq3A_71 = arith.cmpi eq, %select_n3A_69, %eq3A_70 : i32
      %select_n3A_72 = arith.constant 0 : i32
      %select_n3A_73 = arith.select %eq3A_71, %select_n3A_72, %select_n3A_69 : i32
      %add3A_74 = arith.constant 0 : i32
      %add3A_75 = arith.addi %add3A_74, %mul3A_0 : i32
      %select_n3A_76 = arith.constant true
      %select_n3A_77 = arith.constant 0 : i32
      %select_n3A_78 = arith.constant 1 : i32
      %select_n3A_79 = arith.select %select_n3A_76, %select_n3A_78, %select_n3A_77 : i32
      %eq3A_80 = arith.constant 1 : i32
      %eq3A_81 = arith.cmpi eq, %select_n3A_79, %eq3A_80 : i32
      %select_n3A_82 = arith.constant 0 : i32
      %select_n3A_83 = arith.select %eq3A_81, %select_n3A_82, %select_n3A_79 : i32
      %add3A_84 = arith.constant 0 : i32
      %add3A_85 = arith.addi %add3A_84, %mul3A_0 : i32
      %select_n3A_86 = arith.constant true
      %select_n3A_87 = arith.constant 0 : i32
      %select_n3A_88 = arith.constant 1 : i32
      %select_n3A_89 = arith.select %select_n3A_86, %select_n3A_88, %select_n3A_87 : i32
      %eq3A_90 = arith.constant 1 : i32
      %eq3A_91 = arith.cmpi eq, %select_n3A_89, %eq3A_90 : i32
      %select_n3A_92 = arith.constant 0 : i32
      %select_n3A_93 = arith.select %eq3A_91, %select_n3A_92, %select_n3A_89 : i32
      %add3A_94 = arith.constant 0 : i32
      %add3A_95 = arith.addi %add3A_94, %mul3A_0 : i32
      %ne3A = arith.cmpi ne, %add3A_65, %add3A_85 : i32
      %or3A = arith.constant false
      %or3A_96 = arith.ori %or3A, %ne3A : i1
      %ge3A = arith.constant 0 : i32
      %ge3A_97 = arith.cmpi sge, %scan3A_59, %ge3A : i32
      %not3A = arith.constant true
      %not3A_98 = arith.xori %ge3A_97, %not3A : i1
      %and3A = arith.andi %or3A_96, %not3A_98 : i1
      %convert_element_type3A = arith.extui %and3A : i1 to i32
      %cond3A = arith.constant 0 : i32
      %cond3A_99 = arith.cmpi ne, %convert_element_type3A, %cond3A : i32
      scf.if %cond3A_99 {
        "tpu.trace_start"() <{level = 10 : i32, message = "ep_copy_in"}> : () -> ()
        %rem3A_259 = arith.constant 2 : i32
        %rem3A_260 = arith.remui %select_n3A_55, %rem3A_259 : i32
        %mul3A_261 = arith.constant 128 : i32
        %mul3A_262 = arith.muli %mul3A_261, %add3A_85 : i32
        %dma_start3A_263 = arith.constant 0 : i32
        %dma_start3A_264 = arith.constant 0 : i32
        %dma_start3A_265 = tpu.memref_slice %run_scoped3A[%rem3A_260, %dma_start3A_263, %dma_start3A_264] : memref<2x1x128xi32, #tpu.memory_space<vmem>> -> memref<1x1x128xi32, #tpu.memory_space<vmem>>
        %dma_start3A_266 = tpu.memref_squeeze %dma_start3A_265 : memref<1x1x128xi32, #tpu.memory_space<vmem>> -> memref<1x128xi32, #tpu.memory_space<vmem>>
        %dma_start3A_267 = arith.constant 0 : i32
        %dma_start3A_268 = tpu.memref_slice %arg3[%dma_start3A_267, %mul3A_262] : memref<1x2048xi32, #tpu.memory_space<hbm>> -> memref<1x128xi32, #tpu.memory_space<hbm>>
        %dma_start3A_269 = tpu.memref_slice %run_scoped3A_1[%rem3A_260] : memref<2x!tpu.dma_semaphore, #tpu.memory_space<semaphore_mem>> -> memref<1x!tpu.dma_semaphore, #tpu.memory_space<semaphore_mem>>
        %dma_start3A_270 = tpu.memref_squeeze %dma_start3A_269 : memref<1x!tpu.dma_semaphore, #tpu.memory_space<semaphore_mem>> -> memref<!tpu.dma_semaphore, #tpu.memory_space<semaphore_mem>>
        %dma_start3A_271 = arith.constant 0 : i32
        %dma_start3A_272 = arith.constant 0 : i32
        %dma_start3A_273 = tpu.memref_slice %run_scoped3A[%rem3A_260, %dma_start3A_271, %dma_start3A_272] : memref<2x1x128xi32, #tpu.memory_space<vmem>> -> memref<1x1x128xi32, #tpu.memory_space<vmem>>
        %dma_start3A_274 = tpu.memref_squeeze %dma_start3A_273 : memref<1x1x128xi32, #tpu.memory_space<vmem>> -> memref<1x128xi32, #tpu.memory_space<vmem>>
        %dma_start3A_275 = arith.constant 0 : i32
        %dma_start3A_276 = tpu.memref_slice %arg3[%dma_start3A_275, %mul3A_262] : memref<1x2048xi32, #tpu.memory_space<hbm>> -> memref<1x128xi32, #tpu.memory_space<hbm>>
        tpu.enqueue_dma source(%dma_start3A_276 : memref<1x128xi32, #tpu.memory_space<hbm>>) target(%dma_start3A_274 : memref<1x128xi32, #tpu.memory_space<vmem>>) target_semaphore(%dma_start3A_270 : memref<!tpu.dma_semaphore, #tpu.memory_space<semaphore_mem>>)
        "tpu.trace_stop"() : () -> ()
      } else {
      }
      %and3A_100 = arith.constant true
      %and3A_101 = arith.andi %and3A, %and3A_100 : i1
      %add3A_102 = arith.constant 1 : i32
      %add3A_103 = arith.addi %select_n3A_55, %add3A_102 : i32
      %select_n3A_104 = arith.select %and3A_101, %add3A_103, %select_n3A_55 : i32
      %ne3A_105 = arith.cmpi ne, %add3A_65, %add3A_85 : i32
      %or3A_106 = arith.constant false
      %or3A_107 = arith.ori %or3A_106, %ne3A_105 : i1
      %or3A_108 = arith.constant false
      %or3A_109 = arith.ori %or3A_107, %or3A_108 : i1
      %ge3A_110 = arith.constant 0 : i32
      %ge3A_111 = arith.cmpi sge, %scan3A_59, %ge3A_110 : i32
      %not3A_112 = arith.constant true
      %not3A_113 = arith.xori %ge3A_111, %not3A_112 : i1
      %and3A_114 = arith.andi %or3A_109, %not3A_113 : i1
      %ne3A_115 = arith.cmpi ne, %add3A_65, %add3A_75 : i32
      %or3A_116 = arith.constant false
      %or3A_117 = arith.ori %or3A_116, %ne3A_115 : i1
      %or3A_118 = arith.ori %or3A_117, %eq3A_61 : i1
      %convert_element_type3A_119 = arith.extui %or3A_118 : i1 to i32
      %cond3A_120 = arith.constant 0 : i32
      %cond3A_121 = arith.cmpi ne, %convert_element_type3A_119, %cond3A_120 : i32
      scf.if %cond3A_121 {
        "tpu.trace_start"() <{level = 10 : i32, message = "ep_wait_in"}> : () -> ()
        %mul3A_259 = arith.constant 128 : i32
        %mul3A_260 = arith.muli %mul3A_259, %add3A_65 : i32
        %rem3A_261 = arith.constant 2 : i32
        %rem3A_262 = arith.remui %scan3A, %rem3A_261 : i32
        %dma_wait3A_263 = arith.constant 0 : i32
        %dma_wait3A_264 = arith.constant 0 : i32
        %dma_wait3A_265 = tpu.memref_slice %run_scoped3A[%rem3A_262, %dma_wait3A_263, %dma_wait3A_264] : memref<2x1x128xi32, #tpu.memory_space<vmem>> -> memref<1x1x128xi32, #tpu.memory_space<vmem>>
        %dma_wait3A_266 = tpu.memref_squeeze %dma_wait3A_265 : memref<1x1x128xi32, #tpu.memory_space<vmem>> -> memref<1x128xi32, #tpu.memory_space<vmem>>
        %dma_wait3A_267 = arith.constant 0 : i32
        %dma_wait3A_268 = tpu.memref_slice %arg3[%dma_wait3A_267, %mul3A_260] : memref<1x2048xi32, #tpu.memory_space<hbm>> -> memref<1x128xi32, #tpu.memory_space<hbm>>
        %dma_wait3A_269 = tpu.memref_slice %run_scoped3A_1[%rem3A_262] : memref<2x!tpu.dma_semaphore, #tpu.memory_space<semaphore_mem>> -> memref<1x!tpu.dma_semaphore, #tpu.memory_space<semaphore_mem>>
        %dma_wait3A_270 = tpu.memref_squeeze %dma_wait3A_269 : memref<1x!tpu.dma_semaphore, #tpu.memory_space<semaphore_mem>> -> memref<!tpu.dma_semaphore, #tpu.memory_space<semaphore_mem>>
        %dma_wait3A_271 = arith.constant 0 : i32
        %dma_wait3A_272 = arith.constant 0 : i32
        %dma_wait3A_273 = tpu.memref_slice %run_scoped3A[%rem3A_262, %dma_wait3A_271, %dma_wait3A_272] : memref<2x1x128xi32, #tpu.memory_space<vmem>> -> memref<1x1x128xi32, #tpu.memory_space<vmem>>
        %dma_wait3A_274 = tpu.memref_squeeze %dma_wait3A_273 : memref<1x1x128xi32, #tpu.memory_space<vmem>> -> memref<1x128xi32, #tpu.memory_space<vmem>>
        %dma_wait3A_275 = arith.constant 0 : i32
        %dma_wait3A_276 = tpu.memref_slice %arg3[%dma_wait3A_275, %mul3A_260] : memref<1x2048xi32, #tpu.memory_space<hbm>> -> memref<1x128xi32, #tpu.memory_space<hbm>>
        tpu.wait_dma2 semaphore(%dma_wait3A_270 : memref<!tpu.dma_semaphore, #tpu.memory_space<semaphore_mem>>) src(%dma_wait3A_276 : memref<1x128xi32, #tpu.memory_space<hbm>>) dst(%dma_wait3A_274 : memref<1x128xi32, #tpu.memory_space<vmem>>)
        "tpu.trace_stop"() : () -> ()
      } else {
      }
      %ne3A_122 = arith.cmpi ne, %add3A_65, %add3A_75 : i32
      %or3A_123 = arith.constant false
      %or3A_124 = arith.ori %or3A_123, %ne3A_122 : i1
      %or3A_125 = arith.constant false
      %or3A_126 = arith.ori %or3A_124, %or3A_125 : i1
      %or3A_127 = arith.ori %or3A_126, %eq3A_61 : i1
      %convert_element_type3A_128 = arith.extui %or3A_127 : i1 to i32
      %cond3A_129 = arith.constant 0 : i32
      %cond3A_130 = arith.cmpi ne, %convert_element_type3A_128, %cond3A_129 : i32
      scf.if %cond3A_130 {
      } else {
      }
      %rem3A_131 = arith.constant 2 : i32
      %rem3A_132 = arith.remui %scan3A, %rem3A_131 : i32
      %rem3A_133 = arith.constant 2 : i32
      %rem3A_134 = arith.remui %scan3A_56, %rem3A_133 : i32
      %run_scoped3A_135 = arith.constant 0 : i32
      "tpu.trace_start"() <{level = 10 : i32, message = "ep_run_kernel"}> : () -> ()
      "tpu.region"() ({
        %run_scoped3A_259 = tpu.sem_alloc : memref<!tpu.dma_semaphore, #tpu.memory_space<semaphore_mem>>
        %dma_start3A_260 = arith.constant 0 : i32
        %dma_start3A_261 = arith.constant 0 : i32
        %dma_start3A_262 = tpu.memref_slice %run_scoped3A_2[%rem3A_134, %dma_start3A_260, %dma_start3A_261] : memref<2x128x128xf32, #tpu.memory_space<vmem>> -> memref<1x128x128xf32, #tpu.memory_space<vmem>>
        %dma_start3A_263 = tpu.memref_squeeze %dma_start3A_262 : memref<1x128x128xf32, #tpu.memory_space<vmem>> -> memref<128x128xf32, #tpu.memory_space<vmem>>
        %dma_start3A_264 = arith.constant 0 : i32
        %dma_start3A_265 = arith.constant 0 : i32
        %dma_start3A_266 = tpu.memref_slice %run_scoped3A[%rem3A_132, %dma_start3A_264, %dma_start3A_265] : memref<2x1x128xi32, #tpu.memory_space<vmem>> -> memref<1x1x128xi32, #tpu.memory_space<vmem>>
        %dma_start3A_267 = tpu.memref_squeeze %dma_start3A_266 : memref<1x1x128xi32, #tpu.memory_space<vmem>> -> memref<1x128xi32, #tpu.memory_space<vmem>>
        %dma_start3A_268 = arith.constant 0 : i32
        %dma_start3A_269 = tpu.memref_slice %dma_start3A_267[%run_scoped3A_135, %dma_start3A_268] : memref<1x128xi32, #tpu.memory_space<vmem>> -> memref<1x128xi32, #tpu.memory_space<vmem>>
        %dma_start3A_270 = tpu.memref_squeeze %dma_start3A_269 : memref<1x128xi32, #tpu.memory_space<vmem>> -> memref<128xi32, #tpu.memory_space<vmem>>
        %dma_start3A_271 = arith.constant 0 : i32
        %dma_start3A_272 = arith.constant 0 : i32
        %dma_start3A_273 = tpu.memref_slice %arg2[%dma_start3A_271, %dma_start3A_272] : memref<4096x128xf32, #tpu.memory_space<hbm>> -> memref<4096x128xf32, #tpu.memory_space<hbm>>
        tpu.enqueue_indirect_dma source(%dma_start3A_273 : memref<4096x128xf32, #tpu.memory_space<hbm>>) target(%dma_start3A_263 : memref<128x128xf32, #tpu.memory_space<vmem>>) offsets(%dma_start3A_270 : memref<128xi32, #tpu.memory_space<vmem>>) semaphore(%run_scoped3A_259 : memref<!tpu.dma_semaphore, #tpu.memory_space<semaphore_mem>>)
        %dma_wait3A_274 = arith.constant 0 : i32
        %dma_wait3A_275 = arith.constant 0 : i32
        %dma_wait3A_276 = tpu.memref_slice %run_scoped3A_2[%rem3A_134, %dma_wait3A_274, %dma_wait3A_275] : memref<2x128x128xf32, #tpu.memory_space<vmem>> -> memref<1x128x128xf32, #tpu.memory_space<vmem>>
        %dma_wait3A_277 = tpu.memref_squeeze %dma_wait3A_276 : memref<1x128x128xf32, #tpu.memory_space<vmem>> -> memref<128x128xf32, #tpu.memory_space<vmem>>
        %dma_wait3A_278 = arith.constant 0 : i32
        %dma_wait3A_279 = arith.constant 0 : i32
        %dma_wait3A_280 = tpu.memref_slice %run_scoped3A[%rem3A_132, %dma_wait3A_278, %dma_wait3A_279] : memref<2x1x128xi32, #tpu.memory_space<vmem>> -> memref<1x1x128xi32, #tpu.memory_space<vmem>>
        %dma_wait3A_281 = tpu.memref_squeeze %dma_wait3A_280 : memref<1x1x128xi32, #tpu.memory_space<vmem>> -> memref<1x128xi32, #tpu.memory_space<vmem>>
        %dma_wait3A_282 = arith.constant 0 : i32
        %dma_wait3A_283 = tpu.memref_slice %dma_wait3A_281[%run_scoped3A_135, %dma_wait3A_282] : memref<1x128xi32, #tpu.memory_space<vmem>> -> memref<1x128xi32, #tpu.memory_space<vmem>>
        %dma_wait3A_284 = tpu.memref_squeeze %dma_wait3A_283 : memref<1x128xi32, #tpu.memory_space<vmem>> -> memref<128xi32, #tpu.memory_space<vmem>>
        %dma_wait3A_285 = arith.constant 0 : i32
        %dma_wait3A_286 = arith.constant 0 : i32
        %dma_wait3A_287 = tpu.memref_slice %arg2[%dma_wait3A_285, %dma_wait3A_286] : memref<4096x128xf32, #tpu.memory_space<hbm>> -> memref<4096x128xf32, #tpu.memory_space<hbm>>
        tpu.wait_indirect_dma semaphore(%run_scoped3A_259 : memref<!tpu.dma_semaphore, #tpu.memory_space<semaphore_mem>>) src(%dma_wait3A_287 : memref<4096x128xf32, #tpu.memory_space<hbm>>) dst(%dma_wait3A_277 : memref<128x128xf32, #tpu.memory_space<vmem>>)
        tpu.yield
      }) : () -> ()
      "tpu.trace_stop"() : () -> ()
      %ne3A_136 = arith.cmpi ne, %add3A_65, %add3A_85 : i32
      %or3A_137 = arith.constant false
      %or3A_138 = arith.ori %or3A_137, %ne3A_136 : i1
      %or3A_139 = arith.ori %or3A_138, %eq3A_63 : i1
      %convert_element_type3A_140 = arith.extui %or3A_139 : i1 to i32
      %cond3A_141 = arith.constant 0 : i32
      %cond3A_142 = arith.cmpi ne, %convert_element_type3A_140, %cond3A_141 : i32
      scf.if %cond3A_142 {
      } else {
      }
      %and3A_143 = arith.constant false
      %and3A_144 = arith.andi %or3A_139, %and3A_143 : i1
      %ne3A_145 = arith.cmpi ne, %add3A_65, %add3A_85 : i32
      %or3A_146 = arith.constant false
      %or3A_147 = arith.ori %or3A_146, %ne3A_145 : i1
      %or3A_148 = arith.constant false
      %or3A_149 = arith.ori %or3A_147, %or3A_148 : i1
      %or3A_150 = arith.ori %or3A_149, %eq3A_63 : i1
      %convert_element_type3A_151 = arith.extui %or3A_150 : i1 to i32
      %cond3A_152 = arith.constant 0 : i32
      %cond3A_153 = arith.cmpi ne, %convert_element_type3A_151, %cond3A_152 : i32
      scf.if %cond3A_153 {
        "tpu.trace_start"() <{level = 10 : i32, message = "ep_copy_out"}> : () -> ()
        %rem3A_259 = arith.constant 2 : i32
        %rem3A_260 = arith.remui %scan3A_56, %rem3A_259 : i32
        %mul3A_261 = arith.constant 128 : i32
        %mul3A_262 = arith.muli %mul3A_261, %add3A_65 : i32
        %dma_start3A_263 = arith.constant 0 : i32
        %dma_start3A_264 = arith.constant 0 : i32
        %dma_start3A_265 = tpu.memref_slice %run_scoped3A_2[%rem3A_260, %dma_start3A_263, %dma_start3A_264] : memref<2x128x128xf32, #tpu.memory_space<vmem>> -> memref<1x128x128xf32, #tpu.memory_space<vmem>>
        %dma_start3A_266 = tpu.memref_squeeze %dma_start3A_265 : memref<1x128x128xf32, #tpu.memory_space<vmem>> -> memref<128x128xf32, #tpu.memory_space<vmem>>
        %dma_start3A_267 = arith.constant 0 : i32
        %dma_start3A_268 = tpu.memref_slice %arg4[%mul3A_262, %dma_start3A_267] : memref<2048x128xf32, #tpu.memory_space<hbm>> -> memref<128x128xf32, #tpu.memory_space<hbm>>
        %dma_start3A_269 = tpu.memref_slice %run_scoped3A_3[%rem3A_260] : memref<2x!tpu.dma_semaphore, #tpu.memory_space<semaphore_mem>> -> memref<1x!tpu.dma_semaphore, #tpu.memory_space<semaphore_mem>>
        %dma_start3A_270 = tpu.memref_squeeze %dma_start3A_269 : memref<1x!tpu.dma_semaphore, #tpu.memory_space<semaphore_mem>> -> memref<!tpu.dma_semaphore, #tpu.memory_space<semaphore_mem>>
        %dma_start3A_271 = arith.constant 0 : i32
        %dma_start3A_272 = tpu.memref_slice %arg4[%mul3A_262, %dma_start3A_271] : memref<2048x128xf32, #tpu.memory_space<hbm>> -> memref<128x128xf32, #tpu.memory_space<hbm>>
        %dma_start3A_273 = arith.constant 0 : i32
        %dma_start3A_274 = arith.constant 0 : i32
        %dma_start3A_275 = tpu.memref_slice %run_scoped3A_2[%rem3A_260, %dma_start3A_273, %dma_start3A_274] : memref<2x128x128xf32, #tpu.memory_space<vmem>> -> memref<1x128x128xf32, #tpu.memory_space<vmem>>
        %dma_start3A_276 = tpu.memref_squeeze %dma_start3A_275 : memref<1x128x128xf32, #tpu.memory_space<vmem>> -> memref<128x128xf32, #tpu.memory_space<vmem>>
        tpu.enqueue_dma source(%dma_start3A_276 : memref<128x128xf32, #tpu.memory_space<vmem>>) target(%dma_start3A_272 : memref<128x128xf32, #tpu.memory_space<hbm>>) target_semaphore(%dma_start3A_270 : memref<!tpu.dma_semaphore, #tpu.memory_space<semaphore_mem>>)
        "tpu.trace_stop"() : () -> ()
      } else {
      }
      %and3A_154 = arith.constant true
      %and3A_155 = arith.andi %or3A_150, %and3A_154 : i1
      %add3A_156 = arith.constant 1 : i32
      %add3A_157 = arith.addi %scan3A_56, %add3A_156 : i32
      %select_n3A_158 = arith.select %and3A_155, %add3A_157, %scan3A_56 : i32
      %ne3A_159 = arith.cmpi ne, %add3A_65, %add3A_75 : i32
      %or3A_160 = arith.constant false
      %or3A_161 = arith.ori %or3A_160, %ne3A_159 : i1
      %not3A_162 = arith.constant true
      %not3A_163 = arith.xori %eq3A_61, %not3A_162 : i1
      %and3A_164 = arith.andi %or3A_161, %not3A_163 : i1
      %convert_element_type3A_165 = arith.extui %and3A_164 : i1 to i32
      %cond3A_166 = arith.constant 0 : i32
      %cond3A_167 = arith.cmpi ne, %convert_element_type3A_165, %cond3A_166 : i32
      scf.if %cond3A_167 {
      } else {
      }
      %and3A_168 = arith.constant false
      %and3A_169 = arith.andi %and3A_164, %and3A_168 : i1
      %ne3A_170 = arith.cmpi ne, %add3A_65, %add3A_75 : i32
      %or3A_171 = arith.constant false
      %or3A_172 = arith.ori %or3A_171, %ne3A_170 : i1
      %or3A_173 = arith.constant false
      %or3A_174 = arith.ori %or3A_172, %or3A_173 : i1
      %not3A_175 = arith.constant true
      %not3A_176 = arith.xori %eq3A_61, %not3A_175 : i1
      %and3A_177 = arith.andi %or3A_174, %not3A_176 : i1
      %convert_element_type3A_178 = arith.extui %and3A_177 : i1 to i32
      %cond3A_179 = arith.constant 0 : i32
      %cond3A_180 = arith.cmpi ne, %convert_element_type3A_178, %cond3A_179 : i32
      scf.if %cond3A_180 {
        "tpu.trace_start"() <{level = 10 : i32, message = "ep_wait_out"}> : () -> ()
        %rem3A_259 = arith.constant 2 : i32
        %rem3A_260 = arith.remui %scan3A_57, %rem3A_259 : i32
        %mul3A_261 = arith.constant 128 : i32
        %mul3A_262 = arith.muli %mul3A_261, %add3A_75 : i32
        %dma_wait3A_263 = arith.constant 0 : i32
        %dma_wait3A_264 = arith.constant 0 : i32
        %dma_wait3A_265 = tpu.memref_slice %run_scoped3A_2[%rem3A_260, %dma_wait3A_263, %dma_wait3A_264] : memref<2x128x128xf32, #tpu.memory_space<vmem>> -> memref<1x128x128xf32, #tpu.memory_space<vmem>>
        %dma_wait3A_266 = tpu.memref_squeeze %dma_wait3A_265 : memref<1x128x128xf32, #tpu.memory_space<vmem>> -> memref<128x128xf32, #tpu.memory_space<vmem>>
        %dma_wait3A_267 = arith.constant 0 : i32
        %dma_wait3A_268 = tpu.memref_slice %arg4[%mul3A_262, %dma_wait3A_267] : memref<2048x128xf32, #tpu.memory_space<hbm>> -> memref<128x128xf32, #tpu.memory_space<hbm>>
        %dma_wait3A_269 = tpu.memref_slice %run_scoped3A_3[%rem3A_260] : memref<2x!tpu.dma_semaphore, #tpu.memory_space<semaphore_mem>> -> memref<1x!tpu.dma_semaphore, #tpu.memory_space<semaphore_mem>>
        %dma_wait3A_270 = tpu.memref_squeeze %dma_wait3A_269 : memref<1x!tpu.dma_semaphore, #tpu.memory_space<semaphore_mem>> -> memref<!tpu.dma_semaphore, #tpu.memory_space<semaphore_mem>>
        %dma_wait3A_271 = arith.constant 0 : i32
        %dma_wait3A_272 = tpu.memref_slice %arg4[%mul3A_262, %dma_wait3A_271] : memref<2048x128xf32, #tpu.memory_space<hbm>> -> memref<128x128xf32, #tpu.memory_space<hbm>>
        %dma_wait3A_273 = arith.constant 0 : i32
        %dma_wait3A_274 = arith.constant 0 : i32
        %dma_wait3A_275 = tpu.memref_slice %run_scoped3A_2[%rem3A_260, %dma_wait3A_273, %dma_wait3A_274] : memref<2x128x128xf32, #tpu.memory_space<vmem>> -> memref<1x128x128xf32, #tpu.memory_space<vmem>>
        %dma_wait3A_276 = tpu.memref_squeeze %dma_wait3A_275 : memref<1x128x128xf32, #tpu.memory_space<vmem>> -> memref<128x128xf32, #tpu.memory_space<vmem>>
        tpu.wait_dma2 semaphore(%dma_wait3A_270 : memref<!tpu.dma_semaphore, #tpu.memory_space<semaphore_mem>>) src(%dma_wait3A_276 : memref<128x128xf32, #tpu.memory_space<vmem>>) dst(%dma_wait3A_272 : memref<128x128xf32, #tpu.memory_space<hbm>>)
        "tpu.trace_stop"() : () -> ()
      } else {
      }
      %and3A_181 = arith.constant true
      %and3A_182 = arith.andi %and3A_177, %and3A_181 : i1
      %add3A_183 = arith.constant 1 : i32
      %add3A_184 = arith.addi %scan3A_57, %add3A_183 : i32
      %select_n3A_185 = arith.select %and3A_182, %add3A_184, %scan3A_57 : i32
      %ne3A_186 = arith.cmpi ne, %add3A_65, %add3A_85 : i32
      %or3A_187 = arith.constant false
      %or3A_188 = arith.ori %or3A_187, %ne3A_186 : i1
      %or3A_189 = arith.ori %or3A_188, %eq3A_63 : i1
      %add3A_190 = arith.constant 1 : i32
      %add3A_191 = arith.addi %scan3A, %add3A_190 : i32
      %select_n3A_192 = arith.select %or3A_189, %add3A_191, %scan3A : i32
      %select_n3A_193 = arith.constant true
      %select_n3A_194 = arith.constant 0 : i32
      %select_n3A_195 = arith.constant 1 : i32
      %select_n3A_196 = arith.select %select_n3A_193, %select_n3A_195, %select_n3A_194 : i32
      %eq3A_197 = arith.constant 1 : i32
      %eq3A_198 = arith.cmpi eq, %select_n3A_196, %eq3A_197 : i32
      %select_n3A_199 = arith.constant 0 : i32
      %select_n3A_200 = arith.select %eq3A_198, %select_n3A_199, %select_n3A_196 : i32
      %scan3A_201 = arith.constant 0 : i32
      %scan3A_202 = arith.constant 1 : i32
      %sub3A = arith.constant 1 : i32
      %sub3A_203 = arith.subi %scan3A_201, %sub3A : i32
      %select_n3A_204 = arith.constant true
      %select_n3A_205 = arith.select %select_n3A_204, %sub3A_203, %scan3A_201 : i32
      %eq3A_206 = arith.constant -1 : i32
      %eq3A_207 = arith.cmpi eq, %select_n3A_205, %eq3A_206 : i32
      %select_n3A_208 = arith.constant 0 : i32
      %select_n3A_209 = arith.select %eq3A_207, %select_n3A_208, %select_n3A_205 : i32
      %add3A_210 = arith.constant 0 : i32
      %add3A_211 = arith.addi %add3A_210, %mul3A_0 : i32
      %select_n3A_212 = arith.constant true
      %select_n3A_213 = arith.constant 0 : i32
      %select_n3A_214 = arith.constant -1 : i32
      %select_n3A_215 = arith.select %select_n3A_212, %select_n3A_214, %select_n3A_213 : i32
      %eq3A_216 = arith.constant -1 : i32
      %eq3A_217 = arith.cmpi eq, %select_n3A_215, %eq3A_216 : i32
      %select_n3A_218 = arith.constant 0 : i32
      %select_n3A_219 = arith.select %eq3A_217, %select_n3A_218, %select_n3A_215 : i32
      %add3A_220 = arith.constant 0 : i32
      %add3A_221 = arith.addi %add3A_220, %mul3A_0 : i32
      %select_n3A_222 = arith.constant true
      %select_n3A_223 = arith.constant 0 : i32
      %select_n3A_224 = arith.constant 1 : i32
      %select_n3A_225 = arith.select %select_n3A_222, %select_n3A_224, %select_n3A_223 : i32
      %eq3A_226 = arith.constant 1 : i32
      %eq3A_227 = arith.cmpi eq, %select_n3A_225, %eq3A_226 : i32
      %select_n3A_228 = arith.constant 0 : i32
      %select_n3A_229 = arith.select %eq3A_227, %select_n3A_228, %select_n3A_225 : i32
      %add3A_230 = arith.constant 0 : i32
      %add3A_231 = arith.addi %add3A_230, %mul3A_0 : i32
      %select_n3A_232 = arith.constant true
      %select_n3A_233 = arith.constant 0 : i32
      %select_n3A_234 = arith.constant 1 : i32
      %select_n3A_235 = arith.select %select_n3A_232, %select_n3A_234, %select_n3A_233 : i32
      %eq3A_236 = arith.constant 1 : i32
      %eq3A_237 = arith.cmpi eq, %select_n3A_235, %eq3A_236 : i32
      %select_n3A_238 = arith.constant 0 : i32
      %select_n3A_239 = arith.select %eq3A_237, %select_n3A_238, %select_n3A_235 : i32
      %add3A_240 = arith.constant 0 : i32
      %add3A_241 = arith.addi %add3A_240, %mul3A_0 : i32
      "tpu.trace_start"() <{level = 10 : i32, message = "ep_finalize"}> : () -> ()
      %rem3A_242 = arith.constant 2 : i32
      %rem3A_243 = arith.remui %select_n3A_185, %rem3A_242 : i32
      %mul3A_244 = arith.constant 128 : i32
      %mul3A_245 = arith.muli %mul3A_244, %add3A_211 : i32
      %dma_wait3A = arith.constant 0 : i32
      %dma_wait3A_246 = arith.constant 0 : i32
      %dma_wait3A_247 = tpu.memref_slice %run_scoped3A_2[%rem3A_243, %dma_wait3A, %dma_wait3A_246] : memref<2x128x128xf32, #tpu.memory_space<vmem>> -> memref<1x128x128xf32, #tpu.memory_space<vmem>>
      %dma_wait3A_248 = tpu.memref_squeeze %dma_wait3A_247 : memref<1x128x128xf32, #tpu.memory_space<vmem>> -> memref<128x128xf32, #tpu.memory_space<vmem>>
      %dma_wait3A_249 = arith.constant 0 : i32
      %dma_wait3A_250 = tpu.memref_slice %arg4[%mul3A_245, %dma_wait3A_249] : memref<2048x128xf32, #tpu.memory_space<hbm>> -> memref<128x128xf32, #tpu.memory_space<hbm>>
      %dma_wait3A_251 = tpu.memref_slice %run_scoped3A_3[%rem3A_243] : memref<2x!tpu.dma_semaphore, #tpu.memory_space<semaphore_mem>> -> memref<1x!tpu.dma_semaphore, #tpu.memory_space<semaphore_mem>>
      %dma_wait3A_252 = tpu.memref_squeeze %dma_wait3A_251 : memref<1x!tpu.dma_semaphore, #tpu.memory_space<semaphore_mem>> -> memref<!tpu.dma_semaphore, #tpu.memory_space<semaphore_mem>>
      %dma_wait3A_253 = arith.constant 0 : i32
      %dma_wait3A_254 = tpu.memref_slice %arg4[%mul3A_245, %dma_wait3A_253] : memref<2048x128xf32, #tpu.memory_space<hbm>> -> memref<128x128xf32, #tpu.memory_space<hbm>>
      %dma_wait3A_255 = arith.constant 0 : i32
      %dma_wait3A_256 = arith.constant 0 : i32
      %dma_wait3A_257 = tpu.memref_slice %run_scoped3A_2[%rem3A_243, %dma_wait3A_255, %dma_wait3A_256] : memref<2x128x128xf32, #tpu.memory_space<vmem>> -> memref<1x128x128xf32, #tpu.memory_space<vmem>>
      %dma_wait3A_258 = tpu.memref_squeeze %dma_wait3A_257 : memref<1x128x128xf32, #tpu.memory_space<vmem>> -> memref<128x128xf32, #tpu.memory_space<vmem>>
      tpu.wait_dma2 semaphore(%dma_wait3A_252 : memref<!tpu.dma_semaphore, #tpu.memory_space<semaphore_mem>>) src(%dma_wait3A_258 : memref<128x128xf32, #tpu.memory_space<vmem>>) dst(%dma_wait3A_254 : memref<128x128xf32, #tpu.memory_space<hbm>>)
      "tpu.trace_stop"() : () -> ()
      tpu.yield
    }) : () -> ()
    return
  }
}

module attributes {stable_mosaic.version = 14 : i64} {
  func.func @_ctx_kernel(%arg0: i32, %arg1: memref<256x1024xf32, #tpu.memory_space<vmem>>, %arg2: memref<1024x2048xf32, #tpu.memory_space<vmem>>, %arg3: memref<1x2048xf32, #tpu.memory_space<vmem>>, %arg4: memref<2048x64xf32, #tpu.memory_space<vmem>>, %arg5: memref<1x64xf32, #tpu.memory_space<vmem>>, %arg6: memref<1120x384xf32, #tpu.memory_space<vmem>>, %arg7: memref<1120x384xf32, #tpu.memory_space<vmem>>, %arg8: memref<384x1120xf32, #tpu.memory_space<vmem>>, %arg9: memref<256x64xf32, #tpu.memory_space<vmem>>, %arg10: memref<1x64xf32, #tpu.memory_space<vmem>>, %arg11: memref<1120x384xbf16, #tpu.memory_space<vmem>>, %arg12: memref<1120x384xbf16, #tpu.memory_space<vmem>>, %arg13: memref<384x1120xbf16, #tpu.memory_space<vmem>>, %arg14: memref<1024x2048xbf16, #tpu.memory_space<vmem>>) attributes {dimension_semantics = [#tpu.dimension_semantics<arbitrary>], iteration_bounds = array<i64: 8>, scalar_prefetch = 0 : i64, scratch_operands = 0 : i64, tpu.core_type = #tpu.core_type<tc>, window_params = [{transform_indices = @transform_0, window_bounds = array<i64: 256, 1024>}, {pipeline_mode = #tpu.pipeline_mode<synchronous>, transform_indices = @transform_1, window_bounds = array<i64: 1024, 2048>}, {pipeline_mode = #tpu.pipeline_mode<synchronous>, transform_indices = @transform_2, window_bounds = array<i64: 1, 2048>}, {pipeline_mode = #tpu.pipeline_mode<synchronous>, transform_indices = @transform_3, window_bounds = array<i64: 2048, 64>}, {pipeline_mode = #tpu.pipeline_mode<synchronous>, transform_indices = @transform_4, window_bounds = array<i64: 1, 64>}, {transform_indices = @transform_5, window_bounds = array<i64: 1120, 384>}, {transform_indices = @transform_6, window_bounds = array<i64: 1120, 384>}, {transform_indices = @transform_7, window_bounds = array<i64: 384, 1120>}, {transform_indices = @transform_8, window_bounds = array<i64: 256, 64>}, {pipeline_mode = #tpu.pipeline_mode<synchronous>, transform_indices = @transform_9, window_bounds = array<i64: 1, 64>}, {transform_indices = @transform_10, window_bounds = array<i64: 1120, 384>}, {transform_indices = @transform_11, window_bounds = array<i64: 1120, 384>}, {transform_indices = @transform_12, window_bounds = array<i64: 384, 1120>}, {pipeline_mode = #tpu.pipeline_mode<synchronous>, transform_indices = @transform_13, window_bounds = array<i64: 1024, 2048>}]} {
    %get3A = arith.constant 0 : index
    %get3A_0 = arith.constant 0 : index
    %get3A_1 = vector.load %arg6[%get3A, %get3A_0] : memref<1120x384xf32, #tpu.memory_space<vmem>>, vector<1120x384xf32>
    %convert_element_type3A = arith.truncf %get3A_1 : vector<1120x384xf32> to vector<1120x384xbf16>
    %swap3A = arith.constant 0 : index
    %swap3A_2 = arith.constant 0 : index
    %swap3A_3 = vector.load %arg11[%swap3A, %swap3A_2] : memref<1120x384xbf16, #tpu.memory_space<vmem>>, vector<1120x384xbf16>
    tpu.vector_store %arg11[%swap3A, %swap3A_2], %convert_element_type3A {strides = array<i32>} : memref<1120x384xbf16, #tpu.memory_space<vmem>>, vector<1120x384xbf16>,
    %get3A_4 = arith.constant 0 : index
    %get3A_5 = arith.constant 0 : index
    %get3A_6 = vector.load %arg7[%get3A_4, %get3A_5] : memref<1120x384xf32, #tpu.memory_space<vmem>>, vector<1120x384xf32>
    %convert_element_type3A_7 = arith.truncf %get3A_6 : vector<1120x384xf32> to vector<1120x384xbf16>
    %swap3A_8 = arith.constant 0 : index
    %swap3A_9 = arith.constant 0 : index
    %swap3A_10 = vector.load %arg12[%swap3A_8, %swap3A_9] : memref<1120x384xbf16, #tpu.memory_space<vmem>>, vector<1120x384xbf16>
    tpu.vector_store %arg12[%swap3A_8, %swap3A_9], %convert_element_type3A_7 {strides = array<i32>} : memref<1120x384xbf16, #tpu.memory_space<vmem>>, vector<1120x384xbf16>,
    %get3A_11 = arith.constant 0 : index
    %get3A_12 = arith.constant 0 : index
    %get3A_13 = vector.load %arg8[%get3A_11, %get3A_12] : memref<384x1120xf32, #tpu.memory_space<vmem>>, vector<384x1120xf32>
    %convert_element_type3A_14 = arith.truncf %get3A_13 : vector<384x1120xf32> to vector<384x1120xbf16>
    %swap3A_15 = arith.constant 0 : index
    %swap3A_16 = arith.constant 0 : index
    %swap3A_17 = vector.load %arg13[%swap3A_15, %swap3A_16] : memref<384x1120xbf16, #tpu.memory_space<vmem>>, vector<384x1120xbf16>
    tpu.vector_store %arg13[%swap3A_15, %swap3A_16], %convert_element_type3A_14 {strides = array<i32>} : memref<384x1120xbf16, #tpu.memory_space<vmem>>, vector<384x1120xbf16>,
    %eq3A = arith.constant 0 : i32
    %eq3A_18 = arith.cmpi eq, %arg0, %eq3A : i32
    %convert_element_type3A_19 = arith.extui %eq3A_18 : i1 to i32
    %cond3A = arith.constant 0 : i32
    %cond3A_20 = arith.cmpi ne, %convert_element_type3A_19, %cond3A : i32
    scf.if %cond3A_20 {
      %get3A_73 = arith.constant 0 : index
      %get3A_74 = arith.constant 0 : index
      %get3A_75 = vector.load %arg2[%get3A_73, %get3A_74] : memref<1024x2048xf32, #tpu.memory_space<vmem>>, vector<1024x2048xf32>
      %convert_element_type3A_76 = arith.truncf %get3A_75 : vector<1024x2048xf32> to vector<1024x2048xbf16>
      %swap3A_77 = arith.constant 0 : index
      %swap3A_78 = arith.constant 0 : index
      %swap3A_79 = vector.load %arg14[%swap3A_77, %swap3A_78] : memref<1024x2048xbf16, #tpu.memory_space<vmem>>, vector<1024x2048xbf16>
      tpu.vector_store %arg14[%swap3A_77, %swap3A_78], %convert_element_type3A_76 {strides = array<i32>} : memref<1024x2048xbf16, #tpu.memory_space<vmem>>, vector<1024x2048xbf16>,
    } else {
    }
    %get3A_21 = arith.constant 0 : index
    %get3A_22 = arith.constant 0 : index
    %get3A_23 = vector.load %arg1[%get3A_21, %get3A_22] : memref<256x1024xf32, #tpu.memory_space<vmem>>, vector<256x1024xf32>
    %convert_element_type3A_24 = arith.truncf %get3A_23 : vector<256x1024xf32> to vector<256x1024xbf16>
    %get3A_25 = arith.constant 0 : index
    %get3A_26 = arith.constant 0 : index
    %get3A_27 = vector.load %arg14[%get3A_25, %get3A_26] : memref<1024x2048xbf16, #tpu.memory_space<vmem>>, vector<1024x2048xbf16>
    %dot_general3A = arith.constant dense<0.000000e+00> : vector<256x2048xf32>
    %dot_general3A_28 = tpu.matmul %convert_element_type3A_24, %get3A_27, %dot_general3A {dimension_numbers = #tpu.dot_dimension_numbers<[1], [0], [0], [1], [0, 0, 1, 1], [], []>, transpose_lhs_hint = false} : vector<256x1024xbf16>, vector<1024x2048xbf16>, vector<256x2048xf32> -> vector<256x2048xf32>
    %get3A_29 = arith.constant 0 : index
    %get3A_30 = arith.constant 0 : index
    %get3A_31 = vector.load %arg3[%get3A_29, %get3A_30] : memref<1x2048xf32, #tpu.memory_space<vmem>>, vector<1x2048xf32>
    %add3A = vector.broadcast %get3A_31 : vector<1x2048xf32> to vector<256x2048xf32>
    %add3A_32 = arith.addf %dot_general3A_28, %add3A : vector<256x2048xf32>
    %mul3A = arith.constant 5.000000e-01 : f32
    %mul3A_33 = vector.broadcast %mul3A : f32 to vector<256x2048xf32>
    %mul3A_34 = arith.mulf %mul3A_33, %add3A_32 : vector<256x2048xf32>
    %mul3A_35 = arith.constant 0.707106769 : f32
    %mul3A_36 = vector.broadcast %mul3A_35 : f32 to vector<256x2048xf32>
    %mul3A_37 = arith.mulf %add3A_32, %mul3A_36 : vector<256x2048xf32>
    %erf3A = math.erf %mul3A_37 : vector<256x2048xf32>
    %add3A_38 = arith.constant 1.000000e+00 : f32
    %add3A_39 = vector.broadcast %add3A_38 : f32 to vector<256x2048xf32>
    %add3A_40 = arith.addf %add3A_39, %erf3A : vector<256x2048xf32>
    %mul3A_41 = arith.mulf %mul3A_34, %add3A_40 : vector<256x2048xf32>
    %convert_element_type3A_42 = arith.truncf %mul3A_41 : vector<256x2048xf32> to vector<256x2048xbf16>
    %get3A_43 = arith.constant 0 : index
    %get3A_44 = arith.constant 0 : index
    %get3A_45 = vector.load %arg4[%get3A_43, %get3A_44] : memref<2048x64xf32, #tpu.memory_space<vmem>>, vector<2048x64xf32>
    %convert_element_type3A_46 = arith.truncf %get3A_45 : vector<2048x64xf32> to vector<2048x64xbf16>
    %dot_general3A_47 = arith.constant dense<0.000000e+00> : vector<256x64xf32>
    %dot_general3A_48 = tpu.matmul %convert_element_type3A_42, %convert_element_type3A_46, %dot_general3A_47 {dimension_numbers = #tpu.dot_dimension_numbers<[1], [0], [0], [1], [0, 0, 1, 1], [], []>, transpose_lhs_hint = false} : vector<256x2048xbf16>, vector<2048x64xbf16>, vector<256x64xf32> -> vector<256x64xf32>
    %get3A_49 = arith.constant 0 : index
    %get3A_50 = arith.constant 0 : index
    %get3A_51 = vector.load %arg5[%get3A_49, %get3A_50] : memref<1x64xf32, #tpu.memory_space<vmem>>, vector<1x64xf32>
    %add3A_52 = vector.broadcast %get3A_51 : vector<1x64xf32> to vector<256x64xf32>
    %add3A_53 = arith.addf %dot_general3A_48, %add3A_52 : vector<256x64xf32>
    %swap3A_54 = arith.constant 0 : index
    %swap3A_55 = arith.constant 0 : index
    %swap3A_56 = vector.load %arg9[%swap3A_54, %swap3A_55] : memref<256x64xf32, #tpu.memory_space<vmem>>, vector<256x64xf32>
    tpu.vector_store %arg9[%swap3A_54, %swap3A_55], %add3A_53 {strides = array<i32>} : memref<256x64xf32, #tpu.memory_space<vmem>>, vector<256x64xf32>,
    %eq3A_57 = arith.constant 0 : i32
    %eq3A_58 = arith.cmpi eq, %arg0, %eq3A_57 : i32
    %convert_element_type3A_59 = arith.extui %eq3A_58 : i1 to i32
    %cond3A_60 = arith.constant 0 : i32
    %cond3A_61 = arith.cmpi ne, %convert_element_type3A_59, %cond3A_60 : i32
    scf.if %cond3A_61 {
      %broadcast_in_dim3A_73 = arith.constant 0.000000e+00 : f32
      %broadcast_in_dim3A_74 = vector.broadcast %broadcast_in_dim3A_73 : f32 to vector<1x64xf32>
      %swap3A_75 = arith.constant 0 : index
      %swap3A_76 = arith.constant 0 : index
      %swap3A_77 = vector.load %arg10[%swap3A_75, %swap3A_76] : memref<1x64xf32, #tpu.memory_space<vmem>>, vector<1x64xf32>
      tpu.vector_store %arg10[%swap3A_75, %swap3A_76], %broadcast_in_dim3A_74 {strides = array<i32>} : memref<1x64xf32, #tpu.memory_space<vmem>>, vector<1x64xf32>,
    } else {
    }
    %get3A_62 = arith.constant 0 : index
    %get3A_63 = arith.constant 0 : index
    %get3A_64 = vector.load %arg10[%get3A_62, %get3A_63] : memref<1x64xf32, #tpu.memory_space<vmem>>, vector<1x64xf32>
    %reduce_sum3A = arith.constant dense<0.000000e+00> : vector<64xf32>
    %reduce_sum3A_65 = vector.multi_reduction <add>, %add3A_53, %reduce_sum3A [0] : vector<256x64xf32> to vector<64xf32>
    %broadcast_in_dim3A = vector.shape_cast %reduce_sum3A_65 : vector<64xf32> to vector<1x64xf32>
    %mul3A_66 = arith.constant 4.8828125E-4 : f32
    %mul3A_67 = vector.broadcast %mul3A_66 : f32 to vector<1x64xf32>
    %mul3A_68 = arith.mulf %broadcast_in_dim3A, %mul3A_67 : vector<1x64xf32>
    %add3A_69 = arith.addf %get3A_64, %mul3A_68 : vector<1x64xf32>
    %swap3A_70 = arith.constant 0 : index
    %swap3A_71 = arith.constant 0 : index
    %swap3A_72 = vector.load %arg10[%swap3A_70, %swap3A_71] : memref<1x64xf32, #tpu.memory_space<vmem>>, vector<1x64xf32>
    tpu.vector_store %arg10[%swap3A_70, %swap3A_71], %add3A_69 {strides = array<i32>} : memref<1x64xf32, #tpu.memory_space<vmem>>, vector<1x64xf32>,
    return
  }
  func.func @transform_0(%arg0: i32) -> (i32, i32) {
    %c0_i32 = arith.constant 0 : i32
    %c0_i32_0 = arith.constant 0 : i32
    return %arg0, %c0_i32 : i32, i32
  }
  func.func @transform_1(%arg0: i32) -> (i32, i32) {
    %c0_i32 = arith.constant 0 : i32
    %c0_i32_0 = arith.constant 0 : i32
    %c0_i32_1 = arith.constant 0 : i32
    return %c0_i32, %c0_i32_0 : i32, i32
  }
  func.func @transform_2(%arg0: i32) -> (i32, i32) {
    %c0_i32 = arith.constant 0 : i32
    %c0_i32_0 = arith.constant 0 : i32
    %c0_i32_1 = arith.constant 0 : i32
    return %c0_i32, %c0_i32_0 : i32, i32
  }
  func.func @transform_3(%arg0: i32) -> (i32, i32) {
    %c0_i32 = arith.constant 0 : i32
    %c0_i32_0 = arith.constant 0 : i32
    %c0_i32_1 = arith.constant 0 : i32
    return %c0_i32, %c0_i32_0 : i32, i32
  }
  func.func @transform_4(%arg0: i32) -> (i32, i32) {
    %c0_i32 = arith.constant 0 : i32
    %c0_i32_0 = arith.constant 0 : i32
    %c0_i32_1 = arith.constant 0 : i32
    return %c0_i32, %c0_i32_0 : i32, i32
  }
  func.func @transform_5(%arg0: i32) -> (i32, i32) {
    %c0_i32 = arith.constant 0 : i32
    %c0_i32_0 = arith.constant 0 : i32
    return %c0_i32, %arg0 : i32, i32
  }
  func.func @transform_6(%arg0: i32) -> (i32, i32) {
    %c0_i32 = arith.constant 0 : i32
    %c0_i32_0 = arith.constant 0 : i32
    return %c0_i32, %arg0 : i32, i32
  }
  func.func @transform_7(%arg0: i32) -> (i32, i32) {
    %c0_i32 = arith.constant 0 : i32
    %c0_i32_0 = arith.constant 0 : i32
    return %arg0, %c0_i32 : i32, i32
  }
  func.func @transform_8(%arg0: i32) -> (i32, i32) {
    %c0_i32 = arith.constant 0 : i32
    %c0_i32_0 = arith.constant 0 : i32
    return %arg0, %c0_i32 : i32, i32
  }
  func.func @transform_9(%arg0: i32) -> (i32, i32) {
    %c0_i32 = arith.constant 0 : i32
    %c0_i32_0 = arith.constant 0 : i32
    %c0_i32_1 = arith.constant 0 : i32
    return %c0_i32, %c0_i32_0 : i32, i32
  }
  func.func @transform_10(%arg0: i32) -> (i32, i32) {
    %c0_i32 = arith.constant 0 : i32
    %c0_i32_0 = arith.constant 0 : i32
    return %c0_i32, %arg0 : i32, i32
  }
  func.func @transform_11(%arg0: i32) -> (i32, i32) {
    %c0_i32 = arith.constant 0 : i32
    %c0_i32_0 = arith.constant 0 : i32
    return %c0_i32, %arg0 : i32, i32
  }
  func.func @transform_12(%arg0: i32) -> (i32, i32) {
    %c0_i32 = arith.constant 0 : i32
    %c0_i32_0 = arith.constant 0 : i32
    return %arg0, %c0_i32 : i32, i32
  }
  func.func @transform_13(%arg0: i32) -> (i32, i32) {
    %c0_i32 = arith.constant 0 : i32
    %c0_i32_0 = arith.constant 0 : i32
    %c0_i32_1 = arith.constant 0 : i32
    return %c0_i32, %c0_i32_0 : i32, i32
  }
}

module attributes {stable_mosaic.version = 14 : i64} {
  func.func @_gate_kernel(%arg0: i32, %arg1: memref<512x1024xf32, #tpu.memory_space<vmem>>, %arg2: memref<512x64xf32, #tpu.memory_space<vmem>>, %arg3: memref<512x32xf32, #tpu.memory_space<vmem>>, %arg4: memref<1x1120xf32, #tpu.memory_space<vmem>>, %arg5: memref<1120x3072xbf16, #tpu.memory_space<vmem>>, %arg6: memref<1120x3072xbf16, #tpu.memory_space<vmem>>, %arg7: memref<3072x1120xbf16, #tpu.memory_space<vmem>>, %arg8: memref<1120x16xf32, #tpu.memory_space<vmem>>, %arg9: memref<1x16xf32, #tpu.memory_space<vmem>>, %arg10: memref<1x1xf32, #tpu.memory_space<vmem>>, %arg11: memref<1x16xf32, #tpu.memory_space<vmem>>, %arg12: memref<512x2xf32, #tpu.memory_space<vmem>>, %arg13: memref<512x2xi32, #tpu.memory_space<vmem>>, %arg14: memref<1x16xf32, #tpu.memory_space<vmem>>, %arg15: memref<1x32xf32, #tpu.memory_space<vmem>>) attributes {dimension_semantics = [#tpu.dimension_semantics<arbitrary>], iteration_bounds = array<i64: 4>, scalar_prefetch = 0 : i64, scratch_operands = 0 : i64, tpu.core_type = #tpu.core_type<tc>, window_params = [{transform_indices = @transform_0, window_bounds = array<i64: 512, 1024>}, {transform_indices = @transform_1, window_bounds = array<i64: 512, 64>}, {transform_indices = @transform_2, window_bounds = array<i64: 512, 32>}, {pipeline_mode = #tpu.pipeline_mode<synchronous>, transform_indices = @transform_3, window_bounds = array<i64: 1, 1120>}, {pipeline_mode = #tpu.pipeline_mode<synchronous>, transform_indices = @transform_4, window_bounds = array<i64: 1120, 3072>}, {pipeline_mode = #tpu.pipeline_mode<synchronous>, transform_indices = @transform_5, window_bounds = array<i64: 1120, 3072>}, {pipeline_mode = #tpu.pipeline_mode<synchronous>, transform_indices = @transform_6, window_bounds = array<i64: 3072, 1120>}, {pipeline_mode = #tpu.pipeline_mode<synchronous>, transform_indices = @transform_7, window_bounds = array<i64: 1120, 16>}, {pipeline_mode = #tpu.pipeline_mode<synchronous>, transform_indices = @transform_8, window_bounds = array<i64: 1, 16>}, {pipeline_mode = #tpu.pipeline_mode<synchronous>, transform_indices = @transform_9, window_bounds = array<i64: 1, 1>}, {pipeline_mode = #tpu.pipeline_mode<synchronous>, transform_indices = @transform_10, window_bounds = array<i64: 1, 16>}, {transform_indices = @transform_11, window_bounds = array<i64: 512, 2>}, {transform_indices = @transform_12, window_bounds = array<i64: 512, 2>}, {pipeline_mode = #tpu.pipeline_mode<synchronous>, transform_indices = @transform_13, window_bounds = array<i64: 1, 16>}, {pipeline_mode = #tpu.pipeline_mode<synchronous>, transform_indices = @transform_14, window_bounds = array<i64: 1, 32>}]} {
    %get3A = arith.constant 0 : index
    %get3A_0 = arith.constant 0 : index
    %get3A_1 = vector.load %arg3[%get3A, %get3A_0] : memref<512x32xf32, #tpu.memory_space<vmem>>, vector<512x32xf32>
    %get3A_2 = arith.constant 0 : index
    %get3A_3 = arith.constant 0 : index
    %get3A_4 = vector.load %arg1[%get3A_2, %get3A_3] : memref<512x1024xf32, #tpu.memory_space<vmem>>, vector<512x1024xf32>
    %get3A_5 = arith.constant 0 : index
    %get3A_6 = arith.constant 0 : index
    %get3A_7 = vector.load %arg2[%get3A_5, %get3A_6] : memref<512x64xf32, #tpu.memory_space<vmem>>, vector<512x64xf32>
    %concatenate3A = tpu.concatenate %get3A_4, %get3A_7, %get3A_1 in 1 : vector<512x1024xf32>, vector<512x64xf32>, vector<512x32xf32> -> vector<512x1120xf32>
    %mul3A = arith.mulf %concatenate3A, %concatenate3A : vector<512x1120xf32>
    %reduce_sum3A = arith.constant dense<0.000000e+00> : vector<512xf32>
    %reduce_sum3A_8 = vector.multi_reduction <add>, %mul3A, %reduce_sum3A [1] : vector<512x1120xf32> to vector<512xf32>
    %broadcast_in_dim3A = vector.shape_cast %reduce_sum3A_8 : vector<512xf32> to vector<512x1xf32>
    %div3A = arith.constant 1.120000e+03 : f32
    %div3A_9 = vector.broadcast %div3A : f32 to vector<512x1xf32>
    %div3A_10 = arith.divf %broadcast_in_dim3A, %div3A_9 : vector<512x1xf32>
    %add3A = arith.constant 9.99999997E-7 : f32
    %add3A_11 = vector.broadcast %add3A : f32 to vector<512x1xf32>
    %add3A_12 = arith.addf %div3A_10, %add3A_11 : vector<512x1xf32>
    %rsqrt3A = math.rsqrt %add3A_12 : vector<512x1xf32>
    %mul3A_13 = vector.broadcast %rsqrt3A : vector<512x1xf32> to vector<512x1120xf32>
    %mul3A_14 = arith.mulf %concatenate3A, %mul3A_13 : vector<512x1120xf32>
    %get3A_15 = arith.constant 0 : index
    %get3A_16 = arith.constant 0 : index
    %get3A_17 = vector.load %arg4[%get3A_15, %get3A_16] : memref<1x1120xf32, #tpu.memory_space<vmem>>, vector<1x1120xf32>
    %mul3A_18 = vector.broadcast %get3A_17 : vector<1x1120xf32> to vector<512x1120xf32>
    %mul3A_19 = arith.mulf %mul3A_14, %mul3A_18 : vector<512x1120xf32>
    %convert_element_type3A = arith.truncf %mul3A_19 : vector<512x1120xf32> to vector<512x1120xbf16>
    %get3A_20 = arith.constant 0 : index
    %get3A_21 = arith.constant 0 : index
    %get3A_22 = vector.load %arg5[%get3A_20, %get3A_21] : memref<1120x3072xbf16, #tpu.memory_space<vmem>>, vector<1120x768xbf16>
    %dot_general3A = arith.constant dense<0.000000e+00> : vector<512x768xf32>
    %dot_general3A_23 = tpu.matmul %convert_element_type3A, %get3A_22, %dot_general3A {dimension_numbers = #tpu.dot_dimension_numbers<[1], [0], [0], [1], [0, 0, 1, 1], [], []>, transpose_lhs_hint = false} : vector<512x1120xbf16>, vector<1120x768xbf16>, vector<512x768xf32> -> vector<512x768xf32>
    %get3A_24 = arith.constant 0 : index
    %get3A_25 = arith.constant 0 : index
    %get3A_26 = vector.load %arg6[%get3A_24, %get3A_25] : memref<1120x3072xbf16, #tpu.memory_space<vmem>>, vector<1120x768xbf16>
    %dot_general3A_27 = arith.constant dense<0.000000e+00> : vector<512x768xf32>
    %dot_general3A_28 = tpu.matmul %convert_element_type3A, %get3A_26, %dot_general3A_27 {dimension_numbers = #tpu.dot_dimension_numbers<[1], [0], [0], [1], [0, 0, 1, 1], [], []>, transpose_lhs_hint = false} : vector<512x1120xbf16>, vector<1120x768xbf16>, vector<512x768xf32> -> vector<512x768xf32>
    %logistic3A = arith.negf %dot_general3A_23 : vector<512x768xf32>
    %logistic3A_29 = math.exp %logistic3A : vector<512x768xf32>
    %logistic3A_30 = arith.constant 1.000000e+00 : f32
    %logistic3A_31 = vector.broadcast %logistic3A_30 : f32 to vector<512x768xf32>
    %logistic3A_32 = arith.addf %logistic3A_31, %logistic3A_29 : vector<512x768xf32>
    %logistic3A_33 = arith.divf %logistic3A_31, %logistic3A_32 : vector<512x768xf32>
    %mul3A_34 = arith.mulf %dot_general3A_23, %logistic3A_33 : vector<512x768xf32>
    %mul3A_35 = arith.mulf %mul3A_34, %dot_general3A_28 : vector<512x768xf32>
    %convert_element_type3A_36 = arith.truncf %mul3A_35 : vector<512x768xf32> to vector<512x768xbf16>
    %get3A_37 = arith.constant 0 : index
    %get3A_38 = arith.constant 0 : index
    %get3A_39 = vector.load %arg7[%get3A_37, %get3A_38] : memref<3072x1120xbf16, #tpu.memory_space<vmem>>, vector<768x1120xbf16>
    %dot_general3A_40 = arith.constant dense<0.000000e+00> : vector<512x1120xf32>
    %dot_general3A_41 = tpu.matmul %convert_element_type3A_36, %get3A_39, %dot_general3A_40 {dimension_numbers = #tpu.dot_dimension_numbers<[1], [0], [0], [1], [0, 0, 1, 1], [], []>, transpose_lhs_hint = false} : vector<512x768xbf16>, vector<768x1120xbf16>, vector<512x1120xf32> -> vector<512x1120xf32>
    %get3A_42 = arith.constant 0 : index
    %get3A_43 = arith.constant 768 : index
    %get3A_44 = vector.load %arg5[%get3A_42, %get3A_43] : memref<1120x3072xbf16, #tpu.memory_space<vmem>>, vector<1120x768xbf16>
    %dot_general3A_45 = arith.constant dense<0.000000e+00> : vector<512x768xf32>
    %dot_general3A_46 = tpu.matmul %convert_element_type3A, %get3A_44, %dot_general3A_45 {dimension_numbers = #tpu.dot_dimension_numbers<[1], [0], [0], [1], [0, 0, 1, 1], [], []>, transpose_lhs_hint = false} : vector<512x1120xbf16>, vector<1120x768xbf16>, vector<512x768xf32> -> vector<512x768xf32>
    %get3A_47 = arith.constant 0 : index
    %get3A_48 = arith.constant 768 : index
    %get3A_49 = vector.load %arg6[%get3A_47, %get3A_48] : memref<1120x3072xbf16, #tpu.memory_space<vmem>>, vector<1120x768xbf16>
    %dot_general3A_50 = arith.constant dense<0.000000e+00> : vector<512x768xf32>
    %dot_general3A_51 = tpu.matmul %convert_element_type3A, %get3A_49, %dot_general3A_50 {dimension_numbers = #tpu.dot_dimension_numbers<[1], [0], [0], [1], [0, 0, 1, 1], [], []>, transpose_lhs_hint = false} : vector<512x1120xbf16>, vector<1120x768xbf16>, vector<512x768xf32> -> vector<512x768xf32>
    %logistic3A_52 = arith.negf %dot_general3A_46 : vector<512x768xf32>
    %logistic3A_53 = math.exp %logistic3A_52 : vector<512x768xf32>
    %logistic3A_54 = arith.constant 1.000000e+00 : f32
    %logistic3A_55 = vector.broadcast %logistic3A_54 : f32 to vector<512x768xf32>
    %logistic3A_56 = arith.addf %logistic3A_55, %logistic3A_53 : vector<512x768xf32>
    %logistic3A_57 = arith.divf %logistic3A_55, %logistic3A_56 : vector<512x768xf32>
    %mul3A_58 = arith.mulf %dot_general3A_46, %logistic3A_57 : vector<512x768xf32>
    %mul3A_59 = arith.mulf %mul3A_58, %dot_general3A_51 : vector<512x768xf32>
    %convert_element_type3A_60 = arith.truncf %mul3A_59 : vector<512x768xf32> to vector<512x768xbf16>
    %get3A_61 = arith.constant 768 : index
    %get3A_62 = arith.constant 0 : index
    %get3A_63 = vector.load %arg7[%get3A_61, %get3A_62] : memref<3072x1120xbf16, #tpu.memory_space<vmem>>, vector<768x1120xbf16>
    %dot_general3A_64 = arith.constant dense<0.000000e+00> : vector<512x1120xf32>
    %dot_general3A_65 = tpu.matmul %convert_element_type3A_60, %get3A_63, %dot_general3A_64 {dimension_numbers = #tpu.dot_dimension_numbers<[1], [0], [0], [1], [0, 0, 1, 1], [], []>, transpose_lhs_hint = false} : vector<512x768xbf16>, vector<768x1120xbf16>, vector<512x1120xf32> -> vector<512x1120xf32>
    %add3A_66 = arith.addf %dot_general3A_41, %dot_general3A_65 : vector<512x1120xf32>
    %get3A_67 = arith.constant 0 : index
    %get3A_68 = arith.constant 1536 : index
    %get3A_69 = vector.load %arg5[%get3A_67, %get3A_68] : memref<1120x3072xbf16, #tpu.memory_space<vmem>>, vector<1120x768xbf16>
    %dot_general3A_70 = arith.constant dense<0.000000e+00> : vector<512x768xf32>
    %dot_general3A_71 = tpu.matmul %convert_element_type3A, %get3A_69, %dot_general3A_70 {dimension_numbers = #tpu.dot_dimension_numbers<[1], [0], [0], [1], [0, 0, 1, 1], [], []>, transpose_lhs_hint = false} : vector<512x1120xbf16>, vector<1120x768xbf16>, vector<512x768xf32> -> vector<512x768xf32>
    %get3A_72 = arith.constant 0 : index
    %get3A_73 = arith.constant 1536 : index
    %get3A_74 = vector.load %arg6[%get3A_72, %get3A_73] : memref<1120x3072xbf16, #tpu.memory_space<vmem>>, vector<1120x768xbf16>
    %dot_general3A_75 = arith.constant dense<0.000000e+00> : vector<512x768xf32>
    %dot_general3A_76 = tpu.matmul %convert_element_type3A, %get3A_74, %dot_general3A_75 {dimension_numbers = #tpu.dot_dimension_numbers<[1], [0], [0], [1], [0, 0, 1, 1], [], []>, transpose_lhs_hint = false} : vector<512x1120xbf16>, vector<1120x768xbf16>, vector<512x768xf32> -> vector<512x768xf32>
    %logistic3A_77 = arith.negf %dot_general3A_71 : vector<512x768xf32>
    %logistic3A_78 = math.exp %logistic3A_77 : vector<512x768xf32>
    %logistic3A_79 = arith.constant 1.000000e+00 : f32
    %logistic3A_80 = vector.broadcast %logistic3A_79 : f32 to vector<512x768xf32>
    %logistic3A_81 = arith.addf %logistic3A_80, %logistic3A_78 : vector<512x768xf32>
    %logistic3A_82 = arith.divf %logistic3A_80, %logistic3A_81 : vector<512x768xf32>
    %mul3A_83 = arith.mulf %dot_general3A_71, %logistic3A_82 : vector<512x768xf32>
    %mul3A_84 = arith.mulf %mul3A_83, %dot_general3A_76 : vector<512x768xf32>
    %convert_element_type3A_85 = arith.truncf %mul3A_84 : vector<512x768xf32> to vector<512x768xbf16>
    %get3A_86 = arith.constant 1536 : index
    %get3A_87 = arith.constant 0 : index
    %get3A_88 = vector.load %arg7[%get3A_86, %get3A_87] : memref<3072x1120xbf16, #tpu.memory_space<vmem>>, vector<768x1120xbf16>
    %dot_general3A_89 = arith.constant dense<0.000000e+00> : vector<512x1120xf32>
    %dot_general3A_90 = tpu.matmul %convert_element_type3A_85, %get3A_88, %dot_general3A_89 {dimension_numbers = #tpu.dot_dimension_numbers<[1], [0], [0], [1], [0, 0, 1, 1], [], []>, transpose_lhs_hint = false} : vector<512x768xbf16>, vector<768x1120xbf16>, vector<512x1120xf32> -> vector<512x1120xf32>
    %add3A_91 = arith.addf %add3A_66, %dot_general3A_90 : vector<512x1120xf32>
    %get3A_92 = arith.constant 0 : index
    %get3A_93 = arith.constant 2304 : index
    %get3A_94 = vector.load %arg5[%get3A_92, %get3A_93] : memref<1120x3072xbf16, #tpu.memory_space<vmem>>, vector<1120x768xbf16>
    %dot_general3A_95 = arith.constant dense<0.000000e+00> : vector<512x768xf32>
    %dot_general3A_96 = tpu.matmul %convert_element_type3A, %get3A_94, %dot_general3A_95 {dimension_numbers = #tpu.dot_dimension_numbers<[1], [0], [0], [1], [0, 0, 1, 1], [], []>, transpose_lhs_hint = false} : vector<512x1120xbf16>, vector<1120x768xbf16>, vector<512x768xf32> -> vector<512x768xf32>
    %get3A_97 = arith.constant 0 : index
    %get3A_98 = arith.constant 2304 : index
    %get3A_99 = vector.load %arg6[%get3A_97, %get3A_98] : memref<1120x3072xbf16, #tpu.memory_space<vmem>>, vector<1120x768xbf16>
    %dot_general3A_100 = arith.constant dense<0.000000e+00> : vector<512x768xf32>
    %dot_general3A_101 = tpu.matmul %convert_element_type3A, %get3A_99, %dot_general3A_100 {dimension_numbers = #tpu.dot_dimension_numbers<[1], [0], [0], [1], [0, 0, 1, 1], [], []>, transpose_lhs_hint = false} : vector<512x1120xbf16>, vector<1120x768xbf16>, vector<512x768xf32> -> vector<512x768xf32>
    %logistic3A_102 = arith.negf %dot_general3A_96 : vector<512x768xf32>
    %logistic3A_103 = math.exp %logistic3A_102 : vector<512x768xf32>
    %logistic3A_104 = arith.constant 1.000000e+00 : f32
    %logistic3A_105 = vector.broadcast %logistic3A_104 : f32 to vector<512x768xf32>
    %logistic3A_106 = arith.addf %logistic3A_105, %logistic3A_103 : vector<512x768xf32>
    %logistic3A_107 = arith.divf %logistic3A_105, %logistic3A_106 : vector<512x768xf32>
    %mul3A_108 = arith.mulf %dot_general3A_96, %logistic3A_107 : vector<512x768xf32>
    %mul3A_109 = arith.mulf %mul3A_108, %dot_general3A_101 : vector<512x768xf32>
    %convert_element_type3A_110 = arith.truncf %mul3A_109 : vector<512x768xf32> to vector<512x768xbf16>
    %get3A_111 = arith.constant 2304 : index
    %get3A_112 = arith.constant 0 : index
    %get3A_113 = vector.load %arg7[%get3A_111, %get3A_112] : memref<3072x1120xbf16, #tpu.memory_space<vmem>>, vector<768x1120xbf16>
    %dot_general3A_114 = arith.constant dense<0.000000e+00> : vector<512x1120xf32>
    %dot_general3A_115 = tpu.matmul %convert_element_type3A_110, %get3A_113, %dot_general3A_114 {dimension_numbers = #tpu.dot_dimension_numbers<[1], [0], [0], [1], [0, 0, 1, 1], [], []>, transpose_lhs_hint = false} : vector<512x768xbf16>, vector<768x1120xbf16>, vector<512x1120xf32> -> vector<512x1120xf32>
    %add3A_116 = arith.addf %add3A_91, %dot_general3A_115 : vector<512x1120xf32>
    %add3A_117 = arith.addf %add3A_116, %mul3A_19 : vector<512x1120xf32>
    %convert_element_type3A_118 = arith.truncf %add3A_117 : vector<512x1120xf32> to vector<512x1120xbf16>
    %get3A_119 = arith.constant 0 : index
    %get3A_120 = arith.constant 0 : index
    %get3A_121 = vector.load %arg8[%get3A_119, %get3A_120] : memref<1120x16xf32, #tpu.memory_space<vmem>>, vector<1120x16xf32>
    %convert_element_type3A_122 = arith.truncf %get3A_121 : vector<1120x16xf32> to vector<1120x16xbf16>
    %dot_general3A_123 = arith.constant dense<0.000000e+00> : vector<512x16xf32>
    %dot_general3A_124 = tpu.matmul %convert_element_type3A_118, %convert_element_type3A_122, %dot_general3A_123 {dimension_numbers = #tpu.dot_dimension_numbers<[1], [0], [0], [1], [0, 0, 1, 1], [], []>, transpose_lhs_hint = false} : vector<512x1120xbf16>, vector<1120x16xbf16>, vector<512x16xf32> -> vector<512x16xf32>
    %get3A_125 = arith.constant 0 : index
    %get3A_126 = arith.constant 0 : index
    %get3A_127 = vector.load %arg11[%get3A_125, %get3A_126] : memref<1x16xf32, #tpu.memory_space<vmem>>, vector<1x16xf32>
    %log3A = math.log %get3A_127 : vector<1x16xf32>
    %add3A_128 = vector.broadcast %log3A : vector<1x16xf32> to vector<512x16xf32>
    %add3A_129 = arith.addf %dot_general3A_124, %add3A_128 : vector<512x16xf32>
    %get3A_130 = arith.constant 0 : index
    %get3A_131 = arith.constant 0 : index
    %get3A_132 = vector.load %arg9[%get3A_130, %get3A_131] : memref<1x16xf32, #tpu.memory_space<vmem>>, vector<1x16xf32>
    %reduce_sum3A_133 = vector.shape_cast %get3A_132 : vector<1x16xf32> to vector<1x1x16xf32>
    %reduce_sum3A_134 = arith.constant dense<0.000000e+00> : vector<1xf32>
    %reduce_sum3A_135 = vector.multi_reduction <add>, %reduce_sum3A_133, %reduce_sum3A_134 [1, 2] : vector<1x1x16xf32> to vector<1xf32>
    %reduce_sum3A_136 = vector.shape_cast %reduce_sum3A_135 : vector<1xf32> to vector<1x1x1xf32>
    %reduce_sum3A_137 = vector.extract %reduce_sum3A_136[0, 0, 0] : f32 from vector<1x1x1xf32>
    %div3A_138 = arith.constant 1.600000e+01 : f32
    %div3A_139 = arith.divf %reduce_sum3A_137, %div3A_138 : f32
    %sub3A = vector.broadcast %div3A_139 : f32 to vector<1x16xf32>
    %sub3A_140 = arith.subf %get3A_132, %sub3A : vector<1x16xf32>
    %integer_pow3A = arith.mulf %sub3A_140, %sub3A_140 : vector<1x16xf32>
    %reduce_sum3A_141 = vector.shape_cast %integer_pow3A : vector<1x16xf32> to vector<1x1x16xf32>
    %reduce_sum3A_142 = arith.constant dense<0.000000e+00> : vector<1xf32>
    %reduce_sum3A_143 = vector.multi_reduction <add>, %reduce_sum3A_141, %reduce_sum3A_142 [1, 2] : vector<1x1x16xf32> to vector<1xf32>
    %reduce_sum3A_144 = vector.shape_cast %reduce_sum3A_143 : vector<1xf32> to vector<1x1x1xf32>
    %reduce_sum3A_145 = vector.extract %reduce_sum3A_144[0, 0, 0] : f32 from vector<1x1x1xf32>
    %div3A_146 = arith.constant 1.600000e+01 : f32
    %div3A_147 = arith.divf %reduce_sum3A_145, %div3A_146 : f32
    %sqrt3A = math.sqrt %div3A_147 : f32
    %add3A_148 = arith.constant 9.99999997E-7 : f32
    %add3A_149 = arith.addf %div3A_139, %add3A_148 : f32
    %div3A_150 = arith.divf %sqrt3A, %add3A_149 : f32
    %get3A_151 = arith.constant 0 : index
    %get3A_152 = arith.constant 0 : index
    %get3A_153 = vector.load %arg10[%get3A_151, %get3A_152] : memref<1x1xf32, #tpu.memory_space<vmem>>, vector<1x1xf32>
    %get3A_154 = vector.extract %get3A_153[0, 0] : f32 from vector<1x1xf32>
    %add3A_155 = arith.constant 1.000000e+00 : f32
    %add3A_156 = arith.addf %add3A_155, %div3A_150 : f32
    %mul3A_157 = arith.mulf %get3A_154, %add3A_156 : f32
    %max3A = arith.constant 3.000000e-01 : f32
    %max3A_158 = arith.maximumf %mul3A_157, %max3A : f32
    %div3A_159 = vector.broadcast %max3A_158 : f32 to vector<512x16xf32>
    %div3A_160 = arith.divf %add3A_129, %div3A_159 : vector<512x16xf32>
    %reduce_max3A = arith.constant dense<0xFF800000> : vector<512xf32>
    %reduce_max3A_161 = vector.multi_reduction <maximumf>, %div3A_160, %reduce_max3A [1] : vector<512x16xf32> to vector<512xf32>
    %broadcast_in_dim3A_162 = vector.shape_cast %reduce_max3A_161 : vector<512xf32> to vector<512x1xf32>
    %sub3A_163 = vector.broadcast %broadcast_in_dim3A_162 : vector<512x1xf32> to vector<512x16xf32>
    %sub3A_164 = arith.subf %div3A_160, %sub3A_163 : vector<512x16xf32>
    %exp3A = math.exp %sub3A_164 : vector<512x16xf32>
    %reduce_sum3A_165 = arith.constant dense<0.000000e+00> : vector<512xf32>
    %reduce_sum3A_166 = vector.multi_reduction <add>, %exp3A, %reduce_sum3A_165 [1] : vector<512x16xf32> to vector<512xf32>
    %broadcast_in_dim3A_167 = vector.shape_cast %reduce_sum3A_166 : vector<512xf32> to vector<512x1xf32>
    %div3A_168 = vector.broadcast %broadcast_in_dim3A_167 : vector<512x1xf32> to vector<512x16xf32>
    %div3A_169 = arith.divf %exp3A, %div3A_168 : vector<512x16xf32>
    %iota3A = tpu.iota {dimensions = array<i32: 1>} : vector<512x16xi32>
    %argmax3A = tpu.reduce_index %div3A_169 {axis = 1 : i32, kind = #tpu.reduction_kind<arg_max>} : vector<512x16xf32> -> vector<512xi32>
    %reduce_max3A_170 = arith.constant dense<0xFF800000> : vector<512xf32>
    %reduce_max3A_171 = vector.multi_reduction <maximumf>, %div3A_169, %reduce_max3A_170 [1] : vector<512x16xf32> to vector<512xf32>
    %broadcast_in_dim3A_172 = vector.shape_cast %argmax3A : vector<512xi32> to vector<512x1xi32>
    %eq3A = vector.broadcast %broadcast_in_dim3A_172 : vector<512x1xi32> to vector<512x16xi32>
    %eq3A_173 = arith.cmpi eq, %iota3A, %eq3A : vector<512x16xi32>
    %jit3A = arith.constant -1.000000e+00 : f32
    %broadcast_in_dim3A_174 = vector.broadcast %jit3A : f32 to vector<512x16xf32>
    %select_n3A = arith.select %eq3A_173, %broadcast_in_dim3A_174, %div3A_169 : vector<512x16xi1>, vector<512x16xf32>
    %argmax3A_175 = tpu.reduce_index %select_n3A {axis = 1 : i32, kind = #tpu.reduction_kind<arg_max>} : vector<512x16xf32> -> vector<512xi32>
    %reduce_max3A_176 = arith.constant dense<0xFF800000> : vector<512xf32>
    %reduce_max3A_177 = vector.multi_reduction <maximumf>, %select_n3A, %reduce_max3A_176 [1] : vector<512x16xf32> to vector<512xf32>
    %broadcast_in_dim3A_178 = vector.shape_cast %reduce_max3A_171 : vector<512xf32> to vector<512x1xf32>
    %broadcast_in_dim3A_179 = vector.shape_cast %reduce_max3A_177 : vector<512xf32> to vector<512x1xf32>
    %concatenate3A_180 = tpu.concatenate %broadcast_in_dim3A_178, %broadcast_in_dim3A_179 in 1 : vector<512x1xf32>, vector<512x1xf32> -> vector<512x2xf32>
    %swap3A = arith.constant 0 : index
    %swap3A_181 = arith.constant 0 : index
    %swap3A_182 = vector.load %arg12[%swap3A, %swap3A_181] : memref<512x2xf32, #tpu.memory_space<vmem>>, vector<512x2xf32>
    tpu.vector_store %arg12[%swap3A, %swap3A_181], %concatenate3A_180 {strides = array<i32>} : memref<512x2xf32, #tpu.memory_space<vmem>>, vector<512x2xf32>,
    %broadcast_in_dim3A_183 = vector.shape_cast %argmax3A : vector<512xi32> to vector<512x1xi32>
    %broadcast_in_dim3A_184 = vector.shape_cast %argmax3A_175 : vector<512xi32> to vector<512x1xi32>
    %concatenate3A_185 = tpu.concatenate %broadcast_in_dim3A_183, %broadcast_in_dim3A_184 in 1 : vector<512x1xi32>, vector<512x1xi32> -> vector<512x2xi32>
    %swap3A_186 = arith.constant 0 : index
    %swap3A_187 = arith.constant 0 : index
    %swap3A_188 = vector.load %arg13[%swap3A_186, %swap3A_187] : memref<512x2xi32, #tpu.memory_space<vmem>>, vector<512x2xi32>
    tpu.vector_store %arg13[%swap3A_186, %swap3A_187], %concatenate3A_185 {strides = array<i32>} : memref<512x2xi32, #tpu.memory_space<vmem>>, vector<512x2xi32>,
    %eq3A_189 = arith.constant 0 : i32
    %eq3A_190 = arith.cmpi eq, %arg0, %eq3A_189 : i32
    %convert_element_type3A_191 = arith.extui %eq3A_190 : i1 to i32
    %cond3A = arith.constant 0 : i32
    %cond3A_192 = arith.cmpi ne, %convert_element_type3A_191, %cond3A : i32
    scf.if %cond3A_192 {
      %broadcast_in_dim3A_216 = arith.constant 0.000000e+00 : f32
      %broadcast_in_dim3A_217 = vector.broadcast %broadcast_in_dim3A_216 : f32 to vector<1x16xf32>
      %swap3A_218 = arith.constant 0 : index
      %swap3A_219 = arith.constant 0 : index
      %swap3A_220 = vector.load %arg14[%swap3A_218, %swap3A_219] : memref<1x16xf32, #tpu.memory_space<vmem>>, vector<1x16xf32>
      tpu.vector_store %arg14[%swap3A_218, %swap3A_219], %broadcast_in_dim3A_217 {strides = array<i32>} : memref<1x16xf32, #tpu.memory_space<vmem>>, vector<1x16xf32>,
      %broadcast_in_dim3A_221 = arith.constant 0.000000e+00 : f32
      %broadcast_in_dim3A_222 = vector.broadcast %broadcast_in_dim3A_221 : f32 to vector<1x32xf32>
      %swap3A_223 = arith.constant 0 : index
      %swap3A_224 = arith.constant 0 : index
      %swap3A_225 = vector.load %arg15[%swap3A_223, %swap3A_224] : memref<1x32xf32, #tpu.memory_space<vmem>>, vector<1x32xf32>
      tpu.vector_store %arg15[%swap3A_223, %swap3A_224], %broadcast_in_dim3A_222 {strides = array<i32>} : memref<1x32xf32, #tpu.memory_space<vmem>>, vector<1x32xf32>,
    } else {
    }
    %get3A_193 = arith.constant 0 : index
    %get3A_194 = arith.constant 0 : index
    %get3A_195 = vector.load %arg14[%get3A_193, %get3A_194] : memref<1x16xf32, #tpu.memory_space<vmem>>, vector<1x16xf32>
    %reduce_sum3A_196 = arith.constant dense<0.000000e+00> : vector<16xf32>
    %reduce_sum3A_197 = vector.multi_reduction <add>, %div3A_169, %reduce_sum3A_196 [0] : vector<512x16xf32> to vector<16xf32>
    %broadcast_in_dim3A_198 = vector.shape_cast %reduce_sum3A_197 : vector<16xf32> to vector<1x16xf32>
    %add3A_199 = arith.addf %get3A_195, %broadcast_in_dim3A_198 : vector<1x16xf32>
    %swap3A_200 = arith.constant 0 : index
    %swap3A_201 = arith.constant 0 : index
    %swap3A_202 = vector.load %arg14[%swap3A_200, %swap3A_201] : memref<1x16xf32, #tpu.memory_space<vmem>>, vector<1x16xf32>
    tpu.vector_store %arg14[%swap3A_200, %swap3A_201], %add3A_199 {strides = array<i32>} : memref<1x16xf32, #tpu.memory_space<vmem>>, vector<1x16xf32>,
    %get3A_203 = arith.constant 0 : index
    %get3A_204 = arith.constant 0 : index
    %get3A_205 = vector.load %arg15[%get3A_203, %get3A_204] : memref<1x32xf32, #tpu.memory_space<vmem>>, vector<1x32xf32>
    %reduce_sum3A_206 = arith.constant dense<0.000000e+00> : vector<32xf32>
    %reduce_sum3A_207 = vector.multi_reduction <add>, %get3A_1, %reduce_sum3A_206 [0] : vector<512x32xf32> to vector<32xf32>
    %broadcast_in_dim3A_208 = vector.shape_cast %reduce_sum3A_207 : vector<32xf32> to vector<1x32xf32>
    %mul3A_209 = arith.constant 4.8828125E-4 : f32
    %mul3A_210 = vector.broadcast %mul3A_209 : f32 to vector<1x32xf32>
    %mul3A_211 = arith.mulf %broadcast_in_dim3A_208, %mul3A_210 : vector<1x32xf32>
    %add3A_212 = arith.addf %get3A_205, %mul3A_211 : vector<1x32xf32>
    %swap3A_213 = arith.constant 0 : index
    %swap3A_214 = arith.constant 0 : index
    %swap3A_215 = vector.load %arg15[%swap3A_213, %swap3A_214] : memref<1x32xf32, #tpu.memory_space<vmem>>, vector<1x32xf32>
    tpu.vector_store %arg15[%swap3A_213, %swap3A_214], %add3A_212 {strides = array<i32>} : memref<1x32xf32, #tpu.memory_space<vmem>>, vector<1x32xf32>,
    return
  }
  func.func @transform_0(%arg0: i32) -> (i32, i32) {
    %c0_i32 = arith.constant 0 : i32
    %c0_i32_0 = arith.constant 0 : i32
    return %arg0, %c0_i32 : i32, i32
  }
  func.func @transform_1(%arg0: i32) -> (i32, i32) {
    %c0_i32 = arith.constant 0 : i32
    %c0_i32_0 = arith.constant 0 : i32
    return %arg0, %c0_i32 : i32, i32
  }
  func.func @transform_2(%arg0: i32) -> (i32, i32) {
    %c0_i32 = arith.constant 0 : i32
    %c0_i32_0 = arith.constant 0 : i32
    return %arg0, %c0_i32 : i32, i32
  }
  func.func @transform_3(%arg0: i32) -> (i32, i32) {
    %c0_i32 = arith.constant 0 : i32
    %c0_i32_0 = arith.constant 0 : i32
    %c0_i32_1 = arith.constant 0 : i32
    return %c0_i32, %c0_i32_0 : i32, i32
  }
  func.func @transform_4(%arg0: i32) -> (i32, i32) {
    %c0_i32 = arith.constant 0 : i32
    %c0_i32_0 = arith.constant 0 : i32
    %c0_i32_1 = arith.constant 0 : i32
    return %c0_i32, %c0_i32_0 : i32, i32
  }
  func.func @transform_5(%arg0: i32) -> (i32, i32) {
    %c0_i32 = arith.constant 0 : i32
    %c0_i32_0 = arith.constant 0 : i32
    %c0_i32_1 = arith.constant 0 : i32
    return %c0_i32, %c0_i32_0 : i32, i32
  }
  func.func @transform_6(%arg0: i32) -> (i32, i32) {
    %c0_i32 = arith.constant 0 : i32
    %c0_i32_0 = arith.constant 0 : i32
    %c0_i32_1 = arith.constant 0 : i32
    return %c0_i32, %c0_i32_0 : i32, i32
  }
  func.func @transform_7(%arg0: i32) -> (i32, i32) {
    %c0_i32 = arith.constant 0 : i32
    %c0_i32_0 = arith.constant 0 : i32
    %c0_i32_1 = arith.constant 0 : i32
    return %c0_i32, %c0_i32_0 : i32, i32
  }
  func.func @transform_8(%arg0: i32) -> (i32, i32) {
    %c0_i32 = arith.constant 0 : i32
    %c0_i32_0 = arith.constant 0 : i32
    %c0_i32_1 = arith.constant 0 : i32
    return %c0_i32, %c0_i32_0 : i32, i32
  }
  func.func @transform_9(%arg0: i32) -> (i32, i32) {
    %c0_i32 = arith.constant 0 : i32
    %c0_i32_0 = arith.constant 0 : i32
    %c0_i32_1 = arith.constant 0 : i32
    return %c0_i32, %c0_i32_0 : i32, i32
  }
  func.func @transform_10(%arg0: i32) -> (i32, i32) {
    %c0_i32 = arith.constant 0 : i32
    %c0_i32_0 = arith.constant 0 : i32
    %c0_i32_1 = arith.constant 0 : i32
    return %c0_i32, %c0_i32_0 : i32, i32
  }
  func.func @transform_11(%arg0: i32) -> (i32, i32) {
    %c0_i32 = arith.constant 0 : i32
    %c0_i32_0 = arith.constant 0 : i32
    return %arg0, %c0_i32 : i32, i32
  }
  func.func @transform_12(%arg0: i32) -> (i32, i32) {
    %c0_i32 = arith.constant 0 : i32
    %c0_i32_0 = arith.constant 0 : i32
    return %arg0, %c0_i32 : i32, i32
  }
  func.func @transform_13(%arg0: i32) -> (i32, i32) {
    %c0_i32 = arith.constant 0 : i32
    %c0_i32_0 = arith.constant 0 : i32
    %c0_i32_1 = arith.constant 0 : i32
    return %c0_i32, %c0_i32_0 : i32, i32
  }
  func.func @transform_14(%arg0: i32) -> (i32, i32) {
    %c0_i32 = arith.constant 0 : i32
    %c0_i32_0 = arith.constant 0 : i32
    %c0_i32_1 = arith.constant 0 : i32
    return %c0_i32, %c0_i32_0 : i32, i32
  }
}

module attributes {stable_mosaic.version = 14 : i64} {
  func.func @_dispatch_kernel(%arg0: i32, %arg1: memref<2048x2xf32, #tpu.memory_space<vmem>>, %arg2: memref<2048x2xi32, #tpu.memory_space<vmem>>, %arg3: memref<1x4096xf32, #tpu.memory_space<vmem>>, %arg4: memref<1x4096xi32, #tpu.memory_space<vmem>>, %arg5: memref<1x16xf32, #tpu.memory_space<vmem>>, %arg6: memref<1x16xf32, #tpu.memory_space<vmem>>, %arg7: memref<1x16xf32, #tpu.memory_space<vmem>>, %arg8: memref<2048x2xi32, #tpu.memory_space<vmem>>, %arg9: memref<2048x2xi32, #tpu.memory_space<vmem>>, %arg10: memref<2048x1xi32, #tpu.memory_space<vmem>>, %arg11: memref<1x16xi32, #tpu.memory_space<vmem>>, %arg12: memref<1x1xf32, #tpu.memory_space<vmem>>) attributes {dimension_semantics = [#tpu.dimension_semantics<arbitrary>], iteration_bounds = array<i64: 1>, scalar_prefetch = 0 : i64, scratch_operands = 0 : i64, tpu.core_type = #tpu.core_type<tc>, window_params = [{pipeline_mode = #tpu.pipeline_mode<synchronous>, transform_indices = @transform_0, window_bounds = array<i64: 2048, 2>}, {pipeline_mode = #tpu.pipeline_mode<synchronous>, transform_indices = @transform_1, window_bounds = array<i64: 2048, 2>}, {pipeline_mode = #tpu.pipeline_mode<synchronous>, transform_indices = @transform_2, window_bounds = array<i64: 1, 4096>}, {pipeline_mode = #tpu.pipeline_mode<synchronous>, transform_indices = @transform_3, window_bounds = array<i64: 1, 4096>}, {pipeline_mode = #tpu.pipeline_mode<synchronous>, transform_indices = @transform_4, window_bounds = array<i64: 1, 16>}, {pipeline_mode = #tpu.pipeline_mode<synchronous>, transform_indices = @transform_5, window_bounds = array<i64: 1, 16>}, {pipeline_mode = #tpu.pipeline_mode<synchronous>, transform_indices = @transform_6, window_bounds = array<i64: 1, 16>}, {pipeline_mode = #tpu.pipeline_mode<synchronous>, transform_indices = @transform_7, window_bounds = array<i64: 2048, 2>}, {pipeline_mode = #tpu.pipeline_mode<synchronous>, transform_indices = @transform_8, window_bounds = array<i64: 2048, 2>}, {pipeline_mode = #tpu.pipeline_mode<synchronous>, transform_indices = @transform_9, window_bounds = array<i64: 2048, 1>}, {pipeline_mode = #tpu.pipeline_mode<synchronous>, transform_indices = @transform_10, window_bounds = array<i64: 1, 16>}, {pipeline_mode = #tpu.pipeline_mode<synchronous>, transform_indices = @transform_11, window_bounds = array<i64: 1, 1>}]} {
    %get3A = arith.constant 0 : index
    %get3A_0 = arith.constant 0 : index
    %get3A_1 = vector.load %arg5[%get3A, %get3A_0] : memref<1x16xf32, #tpu.memory_space<vmem>>, vector<1x16xf32>
    %jit3A = arith.constant 1.000000e+00 : f32
    %jit3A_2 = arith.constant 2.000000e+00 : f32
    %max3A = vector.broadcast %jit3A : f32 to vector<1x16xf32>
    %max3A_3 = arith.maximumf %max3A, %get3A_1 : vector<1x16xf32>
    %min3A = vector.broadcast %jit3A_2 : f32 to vector<1x16xf32>
    %min3A_4 = arith.minimumf %min3A, %max3A_3 : vector<1x16xf32>
    %get3A_5 = arith.constant 0 : index
    %get3A_6 = arith.constant 0 : index
    %get3A_7 = vector.load %arg4[%get3A_5, %get3A_6] : memref<1x4096xi32, #tpu.memory_space<vmem>>, vector<1x4096xi32>
    %get3A_8 = arith.constant 0 : index
    %get3A_9 = arith.constant 0 : index
    %get3A_10 = vector.load %arg3[%get3A_8, %get3A_9] : memref<1x4096xf32, #tpu.memory_space<vmem>>, vector<1x4096xf32>
    %broadcast_in_dim3A = arith.constant 0.000000e+00 : f32
    %broadcast_in_dim3A_11 = vector.broadcast %broadcast_in_dim3A : f32 to vector<1x4096xf32>
    %eq3A = arith.constant 0 : i32
    %eq3A_12 = vector.broadcast %eq3A : i32 to vector<1x4096xi32>
    %eq3A_13 = arith.cmpi eq, %get3A_7, %eq3A_12 : vector<1x4096xi32>
    %slice3A = vector.extract_strided_slice %min3A_4 {offsets = [0, 0], sizes = [1, 1], strides = [1, 1]} : vector<1x16xf32> to vector<1x1xf32>
    %squeeze3A = vector.extract %slice3A[0, 0] : f32 from vector<1x1xf32>
    %broadcast_in_dim3A_14 = vector.broadcast %squeeze3A : f32 to vector<1x4096xf32>
    %select_n3A = arith.select %eq3A_13, %broadcast_in_dim3A_14, %broadcast_in_dim3A_11 : vector<1x4096xi1>, vector<1x4096xf32>
    %eq3A_15 = arith.constant 1 : i32
    %eq3A_16 = vector.broadcast %eq3A_15 : i32 to vector<1x4096xi32>
    %eq3A_17 = arith.cmpi eq, %get3A_7, %eq3A_16 : vector<1x4096xi32>
    %slice3A_18 = vector.extract_strided_slice %min3A_4 {offsets = [0, 1], sizes = [1, 1], strides = [1, 1]} : vector<1x16xf32> to vector<1x1xf32>
    %squeeze3A_19 = vector.extract %slice3A_18[0, 0] : f32 from vector<1x1xf32>
    %broadcast_in_dim3A_20 = vector.broadcast %squeeze3A_19 : f32 to vector<1x4096xf32>
    %select_n3A_21 = arith.select %eq3A_17, %broadcast_in_dim3A_20, %select_n3A : vector<1x4096xi1>, vector<1x4096xf32>
    %eq3A_22 = arith.constant 2 : i32
    %eq3A_23 = vector.broadcast %eq3A_22 : i32 to vector<1x4096xi32>
    %eq3A_24 = arith.cmpi eq, %get3A_7, %eq3A_23 : vector<1x4096xi32>
    %slice3A_25 = vector.extract_strided_slice %min3A_4 {offsets = [0, 2], sizes = [1, 1], strides = [1, 1]} : vector<1x16xf32> to vector<1x1xf32>
    %squeeze3A_26 = vector.extract %slice3A_25[0, 0] : f32 from vector<1x1xf32>
    %broadcast_in_dim3A_27 = vector.broadcast %squeeze3A_26 : f32 to vector<1x4096xf32>
    %select_n3A_28 = arith.select %eq3A_24, %broadcast_in_dim3A_27, %select_n3A_21 : vector<1x4096xi1>, vector<1x4096xf32>
    %eq3A_29 = arith.constant 3 : i32
    %eq3A_30 = vector.broadcast %eq3A_29 : i32 to vector<1x4096xi32>
    %eq3A_31 = arith.cmpi eq, %get3A_7, %eq3A_30 : vector<1x4096xi32>
    %slice3A_32 = vector.extract_strided_slice %min3A_4 {offsets = [0, 3], sizes = [1, 1], strides = [1, 1]} : vector<1x16xf32> to vector<1x1xf32>
    %squeeze3A_33 = vector.extract %slice3A_32[0, 0] : f32 from vector<1x1xf32>
    %broadcast_in_dim3A_34 = vector.broadcast %squeeze3A_33 : f32 to vector<1x4096xf32>
    %select_n3A_35 = arith.select %eq3A_31, %broadcast_in_dim3A_34, %select_n3A_28 : vector<1x4096xi1>, vector<1x4096xf32>
    %eq3A_36 = arith.constant 4 : i32
    %eq3A_37 = vector.broadcast %eq3A_36 : i32 to vector<1x4096xi32>
    %eq3A_38 = arith.cmpi eq, %get3A_7, %eq3A_37 : vector<1x4096xi32>
    %slice3A_39 = vector.extract_strided_slice %min3A_4 {offsets = [0, 4], sizes = [1, 1], strides = [1, 1]} : vector<1x16xf32> to vector<1x1xf32>
    %squeeze3A_40 = vector.extract %slice3A_39[0, 0] : f32 from vector<1x1xf32>
    %broadcast_in_dim3A_41 = vector.broadcast %squeeze3A_40 : f32 to vector<1x4096xf32>
    %select_n3A_42 = arith.select %eq3A_38, %broadcast_in_dim3A_41, %select_n3A_35 : vector<1x4096xi1>, vector<1x4096xf32>
    %eq3A_43 = arith.constant 5 : i32
    %eq3A_44 = vector.broadcast %eq3A_43 : i32 to vector<1x4096xi32>
    %eq3A_45 = arith.cmpi eq, %get3A_7, %eq3A_44 : vector<1x4096xi32>
    %slice3A_46 = vector.extract_strided_slice %min3A_4 {offsets = [0, 5], sizes = [1, 1], strides = [1, 1]} : vector<1x16xf32> to vector<1x1xf32>
    %squeeze3A_47 = vector.extract %slice3A_46[0, 0] : f32 from vector<1x1xf32>
    %broadcast_in_dim3A_48 = vector.broadcast %squeeze3A_47 : f32 to vector<1x4096xf32>
    %select_n3A_49 = arith.select %eq3A_45, %broadcast_in_dim3A_48, %select_n3A_42 : vector<1x4096xi1>, vector<1x4096xf32>
    %eq3A_50 = arith.constant 6 : i32
    %eq3A_51 = vector.broadcast %eq3A_50 : i32 to vector<1x4096xi32>
    %eq3A_52 = arith.cmpi eq, %get3A_7, %eq3A_51 : vector<1x4096xi32>
    %slice3A_53 = vector.extract_strided_slice %min3A_4 {offsets = [0, 6], sizes = [1, 1], strides = [1, 1]} : vector<1x16xf32> to vector<1x1xf32>
    %squeeze3A_54 = vector.extract %slice3A_53[0, 0] : f32 from vector<1x1xf32>
    %broadcast_in_dim3A_55 = vector.broadcast %squeeze3A_54 : f32 to vector<1x4096xf32>
    %select_n3A_56 = arith.select %eq3A_52, %broadcast_in_dim3A_55, %select_n3A_49 : vector<1x4096xi1>, vector<1x4096xf32>
    %eq3A_57 = arith.constant 7 : i32
    %eq3A_58 = vector.broadcast %eq3A_57 : i32 to vector<1x4096xi32>
    %eq3A_59 = arith.cmpi eq, %get3A_7, %eq3A_58 : vector<1x4096xi32>
    %slice3A_60 = vector.extract_strided_slice %min3A_4 {offsets = [0, 7], sizes = [1, 1], strides = [1, 1]} : vector<1x16xf32> to vector<1x1xf32>
    %squeeze3A_61 = vector.extract %slice3A_60[0, 0] : f32 from vector<1x1xf32>
    %broadcast_in_dim3A_62 = vector.broadcast %squeeze3A_61 : f32 to vector<1x4096xf32>
    %select_n3A_63 = arith.select %eq3A_59, %broadcast_in_dim3A_62, %select_n3A_56 : vector<1x4096xi1>, vector<1x4096xf32>
    %eq3A_64 = arith.constant 8 : i32
    %eq3A_65 = vector.broadcast %eq3A_64 : i32 to vector<1x4096xi32>
    %eq3A_66 = arith.cmpi eq, %get3A_7, %eq3A_65 : vector<1x4096xi32>
    %slice3A_67 = vector.extract_strided_slice %min3A_4 {offsets = [0, 8], sizes = [1, 1], strides = [1, 1]} : vector<1x16xf32> to vector<1x1xf32>
    %squeeze3A_68 = vector.extract %slice3A_67[0, 0] : f32 from vector<1x1xf32>
    %broadcast_in_dim3A_69 = vector.broadcast %squeeze3A_68 : f32 to vector<1x4096xf32>
    %select_n3A_70 = arith.select %eq3A_66, %broadcast_in_dim3A_69, %select_n3A_63 : vector<1x4096xi1>, vector<1x4096xf32>
    %eq3A_71 = arith.constant 9 : i32
    %eq3A_72 = vector.broadcast %eq3A_71 : i32 to vector<1x4096xi32>
    %eq3A_73 = arith.cmpi eq, %get3A_7, %eq3A_72 : vector<1x4096xi32>
    %slice3A_74 = vector.extract_strided_slice %min3A_4 {offsets = [0, 9], sizes = [1, 1], strides = [1, 1]} : vector<1x16xf32> to vector<1x1xf32>
    %squeeze3A_75 = vector.extract %slice3A_74[0, 0] : f32 from vector<1x1xf32>
    %broadcast_in_dim3A_76 = vector.broadcast %squeeze3A_75 : f32 to vector<1x4096xf32>
    %select_n3A_77 = arith.select %eq3A_73, %broadcast_in_dim3A_76, %select_n3A_70 : vector<1x4096xi1>, vector<1x4096xf32>
    %eq3A_78 = arith.constant 10 : i32
    %eq3A_79 = vector.broadcast %eq3A_78 : i32 to vector<1x4096xi32>
    %eq3A_80 = arith.cmpi eq, %get3A_7, %eq3A_79 : vector<1x4096xi32>
    %slice3A_81 = vector.extract_strided_slice %min3A_4 {offsets = [0, 10], sizes = [1, 1], strides = [1, 1]} : vector<1x16xf32> to vector<1x1xf32>
    %squeeze3A_82 = vector.extract %slice3A_81[0, 0] : f32 from vector<1x1xf32>
    %broadcast_in_dim3A_83 = vector.broadcast %squeeze3A_82 : f32 to vector<1x4096xf32>
    %select_n3A_84 = arith.select %eq3A_80, %broadcast_in_dim3A_83, %select_n3A_77 : vector<1x4096xi1>, vector<1x4096xf32>
    %eq3A_85 = arith.constant 11 : i32
    %eq3A_86 = vector.broadcast %eq3A_85 : i32 to vector<1x4096xi32>
    %eq3A_87 = arith.cmpi eq, %get3A_7, %eq3A_86 : vector<1x4096xi32>
    %slice3A_88 = vector.extract_strided_slice %min3A_4 {offsets = [0, 11], sizes = [1, 1], strides = [1, 1]} : vector<1x16xf32> to vector<1x1xf32>
    %squeeze3A_89 = vector.extract %slice3A_88[0, 0] : f32 from vector<1x1xf32>
    %broadcast_in_dim3A_90 = vector.broadcast %squeeze3A_89 : f32 to vector<1x4096xf32>
    %select_n3A_91 = arith.select %eq3A_87, %broadcast_in_dim3A_90, %select_n3A_84 : vector<1x4096xi1>, vector<1x4096xf32>
    %eq3A_92 = arith.constant 12 : i32
    %eq3A_93 = vector.broadcast %eq3A_92 : i32 to vector<1x4096xi32>
    %eq3A_94 = arith.cmpi eq, %get3A_7, %eq3A_93 : vector<1x4096xi32>
    %slice3A_95 = vector.extract_strided_slice %min3A_4 {offsets = [0, 12], sizes = [1, 1], strides = [1, 1]} : vector<1x16xf32> to vector<1x1xf32>
    %squeeze3A_96 = vector.extract %slice3A_95[0, 0] : f32 from vector<1x1xf32>
    %broadcast_in_dim3A_97 = vector.broadcast %squeeze3A_96 : f32 to vector<1x4096xf32>
    %select_n3A_98 = arith.select %eq3A_94, %broadcast_in_dim3A_97, %select_n3A_91 : vector<1x4096xi1>, vector<1x4096xf32>
    %eq3A_99 = arith.constant 13 : i32
    %eq3A_100 = vector.broadcast %eq3A_99 : i32 to vector<1x4096xi32>
    %eq3A_101 = arith.cmpi eq, %get3A_7, %eq3A_100 : vector<1x4096xi32>
    %slice3A_102 = vector.extract_strided_slice %min3A_4 {offsets = [0, 13], sizes = [1, 1], strides = [1, 1]} : vector<1x16xf32> to vector<1x1xf32>
    %squeeze3A_103 = vector.extract %slice3A_102[0, 0] : f32 from vector<1x1xf32>
    %broadcast_in_dim3A_104 = vector.broadcast %squeeze3A_103 : f32 to vector<1x4096xf32>
    %select_n3A_105 = arith.select %eq3A_101, %broadcast_in_dim3A_104, %select_n3A_98 : vector<1x4096xi1>, vector<1x4096xf32>
    %eq3A_106 = arith.constant 14 : i32
    %eq3A_107 = vector.broadcast %eq3A_106 : i32 to vector<1x4096xi32>
    %eq3A_108 = arith.cmpi eq, %get3A_7, %eq3A_107 : vector<1x4096xi32>
    %slice3A_109 = vector.extract_strided_slice %min3A_4 {offsets = [0, 14], sizes = [1, 1], strides = [1, 1]} : vector<1x16xf32> to vector<1x1xf32>
    %squeeze3A_110 = vector.extract %slice3A_109[0, 0] : f32 from vector<1x1xf32>
    %broadcast_in_dim3A_111 = vector.broadcast %squeeze3A_110 : f32 to vector<1x4096xf32>
    %select_n3A_112 = arith.select %eq3A_108, %broadcast_in_dim3A_111, %select_n3A_105 : vector<1x4096xi1>, vector<1x4096xf32>
    %eq3A_113 = arith.constant 15 : i32
    %eq3A_114 = vector.broadcast %eq3A_113 : i32 to vector<1x4096xi32>
    %eq3A_115 = arith.cmpi eq, %get3A_7, %eq3A_114 : vector<1x4096xi32>
    %slice3A_116 = vector.extract_strided_slice %min3A_4 {offsets = [0, 15], sizes = [1, 1], strides = [1, 1]} : vector<1x16xf32> to vector<1x1xf32>
    %squeeze3A_117 = vector.extract %slice3A_116[0, 0] : f32 from vector<1x1xf32>
    %broadcast_in_dim3A_118 = vector.broadcast %squeeze3A_117 : f32 to vector<1x4096xf32>
    %select_n3A_119 = arith.select %eq3A_115, %broadcast_in_dim3A_118, %select_n3A_112 : vector<1x4096xi1>, vector<1x4096xf32>
    %mul3A = arith.mulf %get3A_10, %select_n3A_119 : vector<1x4096xf32>
    %iota3A = tpu.iota {dimensions = array<i32: 1>} : vector<1x4096xi32>
    %get3A_120 = arith.constant 0 : index
    %get3A_121 = arith.constant 0 : index
    %get3A_122 = vector.load %arg6[%get3A_120, %get3A_121] : memref<1x16xf32, #tpu.memory_space<vmem>>, vector<1x16xf32>
    %jit3A_123 = arith.constant 1.000000e-01 : f32
    %jit3A_124 = arith.constant 0.899999976 : f32
    %max3A_125 = vector.broadcast %jit3A_123 : f32 to vector<1x16xf32>
    %max3A_126 = arith.maximumf %max3A_125, %get3A_122 : vector<1x16xf32>
    %min3A_127 = vector.broadcast %jit3A_124 : f32 to vector<1x16xf32>
    %min3A_128 = arith.minimumf %min3A_127, %max3A_126 : vector<1x16xf32>
    %add3A = arith.constant 1.000000e-01 : f32
    %add3A_129 = vector.broadcast %add3A : f32 to vector<1x16xf32>
    %add3A_130 = arith.addf %min3A_128, %add3A_129 : vector<1x16xf32>
    %div3A = arith.constant 1.000000e+00 : f32
    %div3A_131 = vector.broadcast %div3A : f32 to vector<1x16xf32>
    %div3A_132 = arith.divf %div3A_131, %add3A_130 : vector<1x16xf32>
    %reduce_sum3A = vector.shape_cast %div3A_132 : vector<1x16xf32> to vector<1x1x16xf32>
    %reduce_sum3A_133 = arith.constant dense<0.000000e+00> : vector<1xf32>
    %reduce_sum3A_134 = vector.multi_reduction <add>, %reduce_sum3A, %reduce_sum3A_133 [1, 2] : vector<1x1x16xf32> to vector<1xf32>
    %reduce_sum3A_135 = vector.shape_cast %reduce_sum3A_134 : vector<1xf32> to vector<1x1x1xf32>
    %reduce_sum3A_136 = vector.extract %reduce_sum3A_135[0, 0, 0] : f32 from vector<1x1x1xf32>
    %div3A_137 = arith.constant 1.600000e+01 : f32
    %div3A_138 = arith.divf %reduce_sum3A_136, %div3A_137 : f32
    %mul3A_139 = arith.constant 1.600000e+02 : f32
    %mul3A_140 = arith.mulf %mul3A_139, %div3A_138 : f32
    %convert_element_type3A = arith.fptosi %mul3A_140 : f32 to i32
    %jit3A_141 = arith.constant 4 : i32
    %jit3A_142 = arith.constant 2048 : i32
    %max3A_143 = arith.maxsi %jit3A_141, %convert_element_type3A : i32
    %min3A_144 = arith.minsi %jit3A_142, %max3A_143 : i32
    %get3A_145 = arith.constant 0 : index
    %get3A_146 = arith.constant 0 : index
    %get3A_147 = vector.load %arg2[%get3A_145, %get3A_146] : memref<2048x2xi32, #tpu.memory_space<vmem>>, vector<2048x1xi32>
    %get3A_148 = arith.constant 0 : index
    %get3A_149 = arith.constant 0 : index
    %get3A_150 = vector.load %arg1[%get3A_148, %get3A_149] : memref<2048x2xf32, #tpu.memory_space<vmem>>, vector<2048x1xf32>
    %broadcast_in_dim3A_151 = arith.constant 0.000000e+00 : f32
    %broadcast_in_dim3A_152 = vector.broadcast %broadcast_in_dim3A_151 : f32 to vector<2048x1xf32>
    %eq3A_153 = arith.constant 0 : i32
    %eq3A_154 = vector.broadcast %eq3A_153 : i32 to vector<2048x1xi32>
    %eq3A_155 = arith.cmpi eq, %get3A_147, %eq3A_154 : vector<2048x1xi32>
    %slice3A_156 = vector.extract_strided_slice %min3A_4 {offsets = [0, 0], sizes = [1, 1], strides = [1, 1]} : vector<1x16xf32> to vector<1x1xf32>
    %squeeze3A_157 = vector.extract %slice3A_156[0, 0] : f32 from vector<1x1xf32>
    %broadcast_in_dim3A_158 = vector.broadcast %squeeze3A_157 : f32 to vector<2048x1xf32>
    %select_n3A_159 = arith.select %eq3A_155, %broadcast_in_dim3A_158, %broadcast_in_dim3A_152 : vector<2048x1xi1>, vector<2048x1xf32>
    %eq3A_160 = arith.constant 1 : i32
    %eq3A_161 = vector.broadcast %eq3A_160 : i32 to vector<2048x1xi32>
    %eq3A_162 = arith.cmpi eq, %get3A_147, %eq3A_161 : vector<2048x1xi32>
    %slice3A_163 = vector.extract_strided_slice %min3A_4 {offsets = [0, 1], sizes = [1, 1], strides = [1, 1]} : vector<1x16xf32> to vector<1x1xf32>
    %squeeze3A_164 = vector.extract %slice3A_163[0, 0] : f32 from vector<1x1xf32>
    %broadcast_in_dim3A_165 = vector.broadcast %squeeze3A_164 : f32 to vector<2048x1xf32>
    %select_n3A_166 = arith.select %eq3A_162, %broadcast_in_dim3A_165, %select_n3A_159 : vector<2048x1xi1>, vector<2048x1xf32>
    %eq3A_167 = arith.constant 2 : i32
    %eq3A_168 = vector.broadcast %eq3A_167 : i32 to vector<2048x1xi32>
    %eq3A_169 = arith.cmpi eq, %get3A_147, %eq3A_168 : vector<2048x1xi32>
    %slice3A_170 = vector.extract_strided_slice %min3A_4 {offsets = [0, 2], sizes = [1, 1], strides = [1, 1]} : vector<1x16xf32> to vector<1x1xf32>
    %squeeze3A_171 = vector.extract %slice3A_170[0, 0] : f32 from vector<1x1xf32>
    %broadcast_in_dim3A_172 = vector.broadcast %squeeze3A_171 : f32 to vector<2048x1xf32>
    %select_n3A_173 = arith.select %eq3A_169, %broadcast_in_dim3A_172, %select_n3A_166 : vector<2048x1xi1>, vector<2048x1xf32>
    %eq3A_174 = arith.constant 3 : i32
    %eq3A_175 = vector.broadcast %eq3A_174 : i32 to vector<2048x1xi32>
    %eq3A_176 = arith.cmpi eq, %get3A_147, %eq3A_175 : vector<2048x1xi32>
    %slice3A_177 = vector.extract_strided_slice %min3A_4 {offsets = [0, 3], sizes = [1, 1], strides = [1, 1]} : vector<1x16xf32> to vector<1x1xf32>
    %squeeze3A_178 = vector.extract %slice3A_177[0, 0] : f32 from vector<1x1xf32>
    %broadcast_in_dim3A_179 = vector.broadcast %squeeze3A_178 : f32 to vector<2048x1xf32>
    %select_n3A_180 = arith.select %eq3A_176, %broadcast_in_dim3A_179, %select_n3A_173 : vector<2048x1xi1>, vector<2048x1xf32>
    %eq3A_181 = arith.constant 4 : i32
    %eq3A_182 = vector.broadcast %eq3A_181 : i32 to vector<2048x1xi32>
    %eq3A_183 = arith.cmpi eq, %get3A_147, %eq3A_182 : vector<2048x1xi32>
    %slice3A_184 = vector.extract_strided_slice %min3A_4 {offsets = [0, 4], sizes = [1, 1], strides = [1, 1]} : vector<1x16xf32> to vector<1x1xf32>
    %squeeze3A_185 = vector.extract %slice3A_184[0, 0] : f32 from vector<1x1xf32>
    %broadcast_in_dim3A_186 = vector.broadcast %squeeze3A_185 : f32 to vector<2048x1xf32>
    %select_n3A_187 = arith.select %eq3A_183, %broadcast_in_dim3A_186, %select_n3A_180 : vector<2048x1xi1>, vector<2048x1xf32>
    %eq3A_188 = arith.constant 5 : i32
    %eq3A_189 = vector.broadcast %eq3A_188 : i32 to vector<2048x1xi32>
    %eq3A_190 = arith.cmpi eq, %get3A_147, %eq3A_189 : vector<2048x1xi32>
    %slice3A_191 = vector.extract_strided_slice %min3A_4 {offsets = [0, 5], sizes = [1, 1], strides = [1, 1]} : vector<1x16xf32> to vector<1x1xf32>
    %squeeze3A_192 = vector.extract %slice3A_191[0, 0] : f32 from vector<1x1xf32>
    %broadcast_in_dim3A_193 = vector.broadcast %squeeze3A_192 : f32 to vector<2048x1xf32>
    %select_n3A_194 = arith.select %eq3A_190, %broadcast_in_dim3A_193, %select_n3A_187 : vector<2048x1xi1>, vector<2048x1xf32>
    %eq3A_195 = arith.constant 6 : i32
    %eq3A_196 = vector.broadcast %eq3A_195 : i32 to vector<2048x1xi32>
    %eq3A_197 = arith.cmpi eq, %get3A_147, %eq3A_196 : vector<2048x1xi32>
    %slice3A_198 = vector.extract_strided_slice %min3A_4 {offsets = [0, 6], sizes = [1, 1], strides = [1, 1]} : vector<1x16xf32> to vector<1x1xf32>
    %squeeze3A_199 = vector.extract %slice3A_198[0, 0] : f32 from vector<1x1xf32>
    %broadcast_in_dim3A_200 = vector.broadcast %squeeze3A_199 : f32 to vector<2048x1xf32>
    %select_n3A_201 = arith.select %eq3A_197, %broadcast_in_dim3A_200, %select_n3A_194 : vector<2048x1xi1>, vector<2048x1xf32>
    %eq3A_202 = arith.constant 7 : i32
    %eq3A_203 = vector.broadcast %eq3A_202 : i32 to vector<2048x1xi32>
    %eq3A_204 = arith.cmpi eq, %get3A_147, %eq3A_203 : vector<2048x1xi32>
    %slice3A_205 = vector.extract_strided_slice %min3A_4 {offsets = [0, 7], sizes = [1, 1], strides = [1, 1]} : vector<1x16xf32> to vector<1x1xf32>
    %squeeze3A_206 = vector.extract %slice3A_205[0, 0] : f32 from vector<1x1xf32>
    %broadcast_in_dim3A_207 = vector.broadcast %squeeze3A_206 : f32 to vector<2048x1xf32>
    %select_n3A_208 = arith.select %eq3A_204, %broadcast_in_dim3A_207, %select_n3A_201 : vector<2048x1xi1>, vector<2048x1xf32>
    %eq3A_209 = arith.constant 8 : i32
    %eq3A_210 = vector.broadcast %eq3A_209 : i32 to vector<2048x1xi32>
    %eq3A_211 = arith.cmpi eq, %get3A_147, %eq3A_210 : vector<2048x1xi32>
    %slice3A_212 = vector.extract_strided_slice %min3A_4 {offsets = [0, 8], sizes = [1, 1], strides = [1, 1]} : vector<1x16xf32> to vector<1x1xf32>
    %squeeze3A_213 = vector.extract %slice3A_212[0, 0] : f32 from vector<1x1xf32>
    %broadcast_in_dim3A_214 = vector.broadcast %squeeze3A_213 : f32 to vector<2048x1xf32>
    %select_n3A_215 = arith.select %eq3A_211, %broadcast_in_dim3A_214, %select_n3A_208 : vector<2048x1xi1>, vector<2048x1xf32>
    %eq3A_216 = arith.constant 9 : i32
    %eq3A_217 = vector.broadcast %eq3A_216 : i32 to vector<2048x1xi32>
    %eq3A_218 = arith.cmpi eq, %get3A_147, %eq3A_217 : vector<2048x1xi32>
    %slice3A_219 = vector.extract_strided_slice %min3A_4 {offsets = [0, 9], sizes = [1, 1], strides = [1, 1]} : vector<1x16xf32> to vector<1x1xf32>
    %squeeze3A_220 = vector.extract %slice3A_219[0, 0] : f32 from vector<1x1xf32>
    %broadcast_in_dim3A_221 = vector.broadcast %squeeze3A_220 : f32 to vector<2048x1xf32>
    %select_n3A_222 = arith.select %eq3A_218, %broadcast_in_dim3A_221, %select_n3A_215 : vector<2048x1xi1>, vector<2048x1xf32>
    %eq3A_223 = arith.constant 10 : i32
    %eq3A_224 = vector.broadcast %eq3A_223 : i32 to vector<2048x1xi32>
    %eq3A_225 = arith.cmpi eq, %get3A_147, %eq3A_224 : vector<2048x1xi32>
    %slice3A_226 = vector.extract_strided_slice %min3A_4 {offsets = [0, 10], sizes = [1, 1], strides = [1, 1]} : vector<1x16xf32> to vector<1x1xf32>
    %squeeze3A_227 = vector.extract %slice3A_226[0, 0] : f32 from vector<1x1xf32>
    %broadcast_in_dim3A_228 = vector.broadcast %squeeze3A_227 : f32 to vector<2048x1xf32>
    %select_n3A_229 = arith.select %eq3A_225, %broadcast_in_dim3A_228, %select_n3A_222 : vector<2048x1xi1>, vector<2048x1xf32>
    %eq3A_230 = arith.constant 11 : i32
    %eq3A_231 = vector.broadcast %eq3A_230 : i32 to vector<2048x1xi32>
    %eq3A_232 = arith.cmpi eq, %get3A_147, %eq3A_231 : vector<2048x1xi32>
    %slice3A_233 = vector.extract_strided_slice %min3A_4 {offsets = [0, 11], sizes = [1, 1], strides = [1, 1]} : vector<1x16xf32> to vector<1x1xf32>
    %squeeze3A_234 = vector.extract %slice3A_233[0, 0] : f32 from vector<1x1xf32>
    %broadcast_in_dim3A_235 = vector.broadcast %squeeze3A_234 : f32 to vector<2048x1xf32>
    %select_n3A_236 = arith.select %eq3A_232, %broadcast_in_dim3A_235, %select_n3A_229 : vector<2048x1xi1>, vector<2048x1xf32>
    %eq3A_237 = arith.constant 12 : i32
    %eq3A_238 = vector.broadcast %eq3A_237 : i32 to vector<2048x1xi32>
    %eq3A_239 = arith.cmpi eq, %get3A_147, %eq3A_238 : vector<2048x1xi32>
    %slice3A_240 = vector.extract_strided_slice %min3A_4 {offsets = [0, 12], sizes = [1, 1], strides = [1, 1]} : vector<1x16xf32> to vector<1x1xf32>
    %squeeze3A_241 = vector.extract %slice3A_240[0, 0] : f32 from vector<1x1xf32>
    %broadcast_in_dim3A_242 = vector.broadcast %squeeze3A_241 : f32 to vector<2048x1xf32>
    %select_n3A_243 = arith.select %eq3A_239, %broadcast_in_dim3A_242, %select_n3A_236 : vector<2048x1xi1>, vector<2048x1xf32>
    %eq3A_244 = arith.constant 13 : i32
    %eq3A_245 = vector.broadcast %eq3A_244 : i32 to vector<2048x1xi32>
    %eq3A_246 = arith.cmpi eq, %get3A_147, %eq3A_245 : vector<2048x1xi32>
    %slice3A_247 = vector.extract_strided_slice %min3A_4 {offsets = [0, 13], sizes = [1, 1], strides = [1, 1]} : vector<1x16xf32> to vector<1x1xf32>
    %squeeze3A_248 = vector.extract %slice3A_247[0, 0] : f32 from vector<1x1xf32>
    %broadcast_in_dim3A_249 = vector.broadcast %squeeze3A_248 : f32 to vector<2048x1xf32>
    %select_n3A_250 = arith.select %eq3A_246, %broadcast_in_dim3A_249, %select_n3A_243 : vector<2048x1xi1>, vector<2048x1xf32>
    %eq3A_251 = arith.constant 14 : i32
    %eq3A_252 = vector.broadcast %eq3A_251 : i32 to vector<2048x1xi32>
    %eq3A_253 = arith.cmpi eq, %get3A_147, %eq3A_252 : vector<2048x1xi32>
    %slice3A_254 = vector.extract_strided_slice %min3A_4 {offsets = [0, 14], sizes = [1, 1], strides = [1, 1]} : vector<1x16xf32> to vector<1x1xf32>
    %squeeze3A_255 = vector.extract %slice3A_254[0, 0] : f32 from vector<1x1xf32>
    %broadcast_in_dim3A_256 = vector.broadcast %squeeze3A_255 : f32 to vector<2048x1xf32>
    %select_n3A_257 = arith.select %eq3A_253, %broadcast_in_dim3A_256, %select_n3A_250 : vector<2048x1xi1>, vector<2048x1xf32>
    %eq3A_258 = arith.constant 15 : i32
    %eq3A_259 = vector.broadcast %eq3A_258 : i32 to vector<2048x1xi32>
    %eq3A_260 = arith.cmpi eq, %get3A_147, %eq3A_259 : vector<2048x1xi32>
    %slice3A_261 = vector.extract_strided_slice %min3A_4 {offsets = [0, 15], sizes = [1, 1], strides = [1, 1]} : vector<1x16xf32> to vector<1x1xf32>
    %squeeze3A_262 = vector.extract %slice3A_261[0, 0] : f32 from vector<1x1xf32>
    %broadcast_in_dim3A_263 = vector.broadcast %squeeze3A_262 : f32 to vector<2048x1xf32>
    %select_n3A_264 = arith.select %eq3A_260, %broadcast_in_dim3A_263, %select_n3A_257 : vector<2048x1xi1>, vector<2048x1xf32>
    %mul3A_265 = arith.mulf %get3A_150, %select_n3A_264 : vector<2048x1xf32>
    %iota3A_266 = tpu.iota {dimensions = array<i32: 0>} : vector<2048x1xi32>
    %mul3A_267 = arith.constant 2 : i32
    %mul3A_268 = vector.broadcast %mul3A_267 : i32 to vector<2048x1xi32>
    %mul3A_269 = arith.muli %iota3A_266, %mul3A_268 : vector<2048x1xi32>
    %add3A_270 = arith.constant 0 : i32
    %add3A_271 = vector.broadcast %add3A_270 : i32 to vector<2048x1xi32>
    %add3A_272 = arith.addi %mul3A_269, %add3A_271 : vector<2048x1xi32>
    %slice3A_273 = vector.extract_strided_slice %mul3A_265 {offsets = [0, 0], sizes = [512, 1], strides = [1, 1]} : vector<2048x1xf32> to vector<512x1xf32>
    %slice3A_274 = vector.extract_strided_slice %get3A_147 {offsets = [0, 0], sizes = [512, 1], strides = [1, 1]} : vector<2048x1xi32> to vector<512x1xi32>
    %slice3A_275 = vector.extract_strided_slice %add3A_272 {offsets = [0, 0], sizes = [512, 1], strides = [1, 1]} : vector<2048x1xi32> to vector<512x1xi32>
    %broadcast_in_dim3A_276 = arith.constant 0 : i32
    %broadcast_in_dim3A_277 = vector.broadcast %broadcast_in_dim3A_276 : i32 to vector<512x1xi32>
    %slice3A_278 = vector.extract_strided_slice %mul3A {offsets = [0, 1024], sizes = [1, 3072], strides = [1, 1]} : vector<1x4096xf32> to vector<1x3072xf32>
    %gt3A = vector.broadcast %slice3A_278 : vector<1x3072xf32> to vector<512x3072xf32>
    %gt3A_279 = vector.broadcast %slice3A_273 : vector<512x1xf32> to vector<512x3072xf32>
    %gt3A_280 = arith.cmpf ogt, %gt3A, %gt3A_279 : vector<512x3072xf32>
    %slice3A_281 = vector.extract_strided_slice %get3A_7 {offsets = [0, 1024], sizes = [1, 3072], strides = [1, 1]} : vector<1x4096xi32> to vector<1x3072xi32>
    %eq3A_282 = vector.broadcast %slice3A_281 : vector<1x3072xi32> to vector<512x3072xi32>
    %eq3A_283 = vector.broadcast %slice3A_274 : vector<512x1xi32> to vector<512x3072xi32>
    %eq3A_284 = arith.cmpi eq, %eq3A_282, %eq3A_283 : vector<512x3072xi32>
    %and3A = arith.andi %gt3A_280, %eq3A_284 : vector<512x3072xi1>
    %convert_element_type3A_285 = arith.extui %and3A : vector<512x3072xi1> to vector<512x3072xi32>
    %reduce_sum3A_286 = arith.constant dense<0> : vector<512xi32>
    %reduce_sum3A_287 = vector.multi_reduction <add>, %convert_element_type3A_285, %reduce_sum3A_286 [1] : vector<512x3072xi32> to vector<512xi32>
    %broadcast_in_dim3A_288 = vector.shape_cast %reduce_sum3A_287 : vector<512xi32> to vector<512x1xi32>
    %add3A_289 = arith.addi %broadcast_in_dim3A_277, %broadcast_in_dim3A_288 : vector<512x1xi32>
    %slice3A_290 = vector.extract_strided_slice %mul3A {offsets = [0, 0], sizes = [1, 1024], strides = [1, 1]} : vector<1x4096xf32> to vector<1x1024xf32>
    %slice3A_291 = vector.extract_strided_slice %get3A_7 {offsets = [0, 0], sizes = [1, 1024], strides = [1, 1]} : vector<1x4096xi32> to vector<1x1024xi32>
    %slice3A_292 = vector.extract_strided_slice %iota3A {offsets = [0, 0], sizes = [1, 1024], strides = [1, 1]} : vector<1x4096xi32> to vector<1x1024xi32>
    %gt3A_293 = vector.broadcast %slice3A_290 : vector<1x1024xf32> to vector<512x1024xf32>
    %gt3A_294 = vector.broadcast %slice3A_273 : vector<512x1xf32> to vector<512x1024xf32>
    %gt3A_295 = arith.cmpf ogt, %gt3A_293, %gt3A_294 : vector<512x1024xf32>
    %eq3A_296 = vector.broadcast %slice3A_290 : vector<1x1024xf32> to vector<512x1024xf32>
    %eq3A_297 = vector.broadcast %slice3A_273 : vector<512x1xf32> to vector<512x1024xf32>
    %eq3A_298 = arith.cmpf oeq, %eq3A_296, %eq3A_297 : vector<512x1024xf32>
    %lt3A = vector.broadcast %slice3A_292 : vector<1x1024xi32> to vector<512x1024xi32>
    %lt3A_299 = vector.broadcast %slice3A_275 : vector<512x1xi32> to vector<512x1024xi32>
    %lt3A_300 = arith.cmpi slt, %lt3A, %lt3A_299 : vector<512x1024xi32>
    %and3A_301 = arith.andi %eq3A_298, %lt3A_300 : vector<512x1024xi1>
    %or3A = arith.ori %gt3A_295, %and3A_301 : vector<512x1024xi1>
    %eq3A_302 = vector.broadcast %slice3A_291 : vector<1x1024xi32> to vector<512x1024xi32>
    %eq3A_303 = vector.broadcast %slice3A_274 : vector<512x1xi32> to vector<512x1024xi32>
    %eq3A_304 = arith.cmpi eq, %eq3A_302, %eq3A_303 : vector<512x1024xi32>
    %and3A_305 = arith.andi %or3A, %eq3A_304 : vector<512x1024xi1>
    %convert_element_type3A_306 = arith.extui %and3A_305 : vector<512x1024xi1> to vector<512x1024xi32>
    %reduce_sum3A_307 = arith.constant dense<0> : vector<512xi32>
    %reduce_sum3A_308 = vector.multi_reduction <add>, %convert_element_type3A_306, %reduce_sum3A_307 [1] : vector<512x1024xi32> to vector<512xi32>
    %broadcast_in_dim3A_309 = vector.shape_cast %reduce_sum3A_308 : vector<512xi32> to vector<512x1xi32>
    %add3A_310 = arith.addi %add3A_289, %broadcast_in_dim3A_309 : vector<512x1xi32>
    %slice3A_311 = vector.extract_strided_slice %mul3A_265 {offsets = [512, 0], sizes = [512, 1], strides = [1, 1]} : vector<2048x1xf32> to vector<512x1xf32>
    %slice3A_312 = vector.extract_strided_slice %get3A_147 {offsets = [512, 0], sizes = [512, 1], strides = [1, 1]} : vector<2048x1xi32> to vector<512x1xi32>
    %slice3A_313 = vector.extract_strided_slice %add3A_272 {offsets = [512, 0], sizes = [512, 1], strides = [1, 1]} : vector<2048x1xi32> to vector<512x1xi32>
    %broadcast_in_dim3A_314 = arith.constant 0 : i32
    %broadcast_in_dim3A_315 = vector.broadcast %broadcast_in_dim3A_314 : i32 to vector<512x1xi32>
    %slice3A_316 = vector.extract_strided_slice %mul3A {offsets = [0, 0], sizes = [1, 1024], strides = [1, 1]} : vector<1x4096xf32> to vector<1x1024xf32>
    %ge3A = vector.broadcast %slice3A_316 : vector<1x1024xf32> to vector<512x1024xf32>
    %ge3A_317 = vector.broadcast %slice3A_311 : vector<512x1xf32> to vector<512x1024xf32>
    %ge3A_318 = arith.cmpf oge, %ge3A, %ge3A_317 : vector<512x1024xf32>
    %slice3A_319 = vector.extract_strided_slice %get3A_7 {offsets = [0, 0], sizes = [1, 1024], strides = [1, 1]} : vector<1x4096xi32> to vector<1x1024xi32>
    %eq3A_320 = vector.broadcast %slice3A_319 : vector<1x1024xi32> to vector<512x1024xi32>
    %eq3A_321 = vector.broadcast %slice3A_312 : vector<512x1xi32> to vector<512x1024xi32>
    %eq3A_322 = arith.cmpi eq, %eq3A_320, %eq3A_321 : vector<512x1024xi32>
    %and3A_323 = arith.andi %ge3A_318, %eq3A_322 : vector<512x1024xi1>
    %convert_element_type3A_324 = arith.extui %and3A_323 : vector<512x1024xi1> to vector<512x1024xi32>
    %reduce_sum3A_325 = arith.constant dense<0> : vector<512xi32>
    %reduce_sum3A_326 = vector.multi_reduction <add>, %convert_element_type3A_324, %reduce_sum3A_325 [1] : vector<512x1024xi32> to vector<512xi32>
    %broadcast_in_dim3A_327 = vector.shape_cast %reduce_sum3A_326 : vector<512xi32> to vector<512x1xi32>
    %add3A_328 = arith.addi %broadcast_in_dim3A_315, %broadcast_in_dim3A_327 : vector<512x1xi32>
    %slice3A_329 = vector.extract_strided_slice %mul3A {offsets = [0, 2048], sizes = [1, 2048], strides = [1, 1]} : vector<1x4096xf32> to vector<1x2048xf32>
    %gt3A_330 = vector.broadcast %slice3A_329 : vector<1x2048xf32> to vector<512x2048xf32>
    %gt3A_331 = vector.broadcast %slice3A_311 : vector<512x1xf32> to vector<512x2048xf32>
    %gt3A_332 = arith.cmpf ogt, %gt3A_330, %gt3A_331 : vector<512x2048xf32>
    %slice3A_333 = vector.extract_strided_slice %get3A_7 {offsets = [0, 2048], sizes = [1, 2048], strides = [1, 1]} : vector<1x4096xi32> to vector<1x2048xi32>
    %eq3A_334 = vector.broadcast %slice3A_333 : vector<1x2048xi32> to vector<512x2048xi32>
    %eq3A_335 = vector.broadcast %slice3A_312 : vector<512x1xi32> to vector<512x2048xi32>
    %eq3A_336 = arith.cmpi eq, %eq3A_334, %eq3A_335 : vector<512x2048xi32>
    %and3A_337 = arith.andi %gt3A_332, %eq3A_336 : vector<512x2048xi1>
    %convert_element_type3A_338 = arith.extui %and3A_337 : vector<512x2048xi1> to vector<512x2048xi32>
    %reduce_sum3A_339 = arith.constant dense<0> : vector<512xi32>
    %reduce_sum3A_340 = vector.multi_reduction <add>, %convert_element_type3A_338, %reduce_sum3A_339 [1] : vector<512x2048xi32> to vector<512xi32>
    %broadcast_in_dim3A_341 = vector.shape_cast %reduce_sum3A_340 : vector<512xi32> to vector<512x1xi32>
    %add3A_342 = arith.addi %add3A_328, %broadcast_in_dim3A_341 : vector<512x1xi32>
    %slice3A_343 = vector.extract_strided_slice %mul3A {offsets = [0, 1024], sizes = [1, 1024], strides = [1, 1]} : vector<1x4096xf32> to vector<1x1024xf32>
    %slice3A_344 = vector.extract_strided_slice %get3A_7 {offsets = [0, 1024], sizes = [1, 1024], strides = [1, 1]} : vector<1x4096xi32> to vector<1x1024xi32>
    %slice3A_345 = vector.extract_strided_slice %iota3A {offsets = [0, 1024], sizes = [1, 1024], strides = [1, 1]} : vector<1x4096xi32> to vector<1x1024xi32>
    %gt3A_346 = vector.broadcast %slice3A_343 : vector<1x1024xf32> to vector<512x1024xf32>
    %gt3A_347 = vector.broadcast %slice3A_311 : vector<512x1xf32> to vector<512x1024xf32>
    %gt3A_348 = arith.cmpf ogt, %gt3A_346, %gt3A_347 : vector<512x1024xf32>
    %eq3A_349 = vector.broadcast %slice3A_343 : vector<1x1024xf32> to vector<512x1024xf32>
    %eq3A_350 = vector.broadcast %slice3A_311 : vector<512x1xf32> to vector<512x1024xf32>
    %eq3A_351 = arith.cmpf oeq, %eq3A_349, %eq3A_350 : vector<512x1024xf32>
    %lt3A_352 = vector.broadcast %slice3A_345 : vector<1x1024xi32> to vector<512x1024xi32>
    %lt3A_353 = vector.broadcast %slice3A_313 : vector<512x1xi32> to vector<512x1024xi32>
    %lt3A_354 = arith.cmpi slt, %lt3A_352, %lt3A_353 : vector<512x1024xi32>
    %and3A_355 = arith.andi %eq3A_351, %lt3A_354 : vector<512x1024xi1>
    %or3A_356 = arith.ori %gt3A_348, %and3A_355 : vector<512x1024xi1>
    %eq3A_357 = vector.broadcast %slice3A_344 : vector<1x1024xi32> to vector<512x1024xi32>
    %eq3A_358 = vector.broadcast %slice3A_312 : vector<512x1xi32> to vector<512x1024xi32>
    %eq3A_359 = arith.cmpi eq, %eq3A_357, %eq3A_358 : vector<512x1024xi32>
    %and3A_360 = arith.andi %or3A_356, %eq3A_359 : vector<512x1024xi1>
    %convert_element_type3A_361 = arith.extui %and3A_360 : vector<512x1024xi1> to vector<512x1024xi32>
    %reduce_sum3A_362 = arith.constant dense<0> : vector<512xi32>
    %reduce_sum3A_363 = vector.multi_reduction <add>, %convert_element_type3A_361, %reduce_sum3A_362 [1] : vector<512x1024xi32> to vector<512xi32>
    %broadcast_in_dim3A_364 = vector.shape_cast %reduce_sum3A_363 : vector<512xi32> to vector<512x1xi32>
    %add3A_365 = arith.addi %add3A_342, %broadcast_in_dim3A_364 : vector<512x1xi32>
    %slice3A_366 = vector.extract_strided_slice %mul3A_265 {offsets = [1024, 0], sizes = [512, 1], strides = [1, 1]} : vector<2048x1xf32> to vector<512x1xf32>
    %slice3A_367 = vector.extract_strided_slice %get3A_147 {offsets = [1024, 0], sizes = [512, 1], strides = [1, 1]} : vector<2048x1xi32> to vector<512x1xi32>
    %slice3A_368 = vector.extract_strided_slice %add3A_272 {offsets = [1024, 0], sizes = [512, 1], strides = [1, 1]} : vector<2048x1xi32> to vector<512x1xi32>
    %broadcast_in_dim3A_369 = arith.constant 0 : i32
    %broadcast_in_dim3A_370 = vector.broadcast %broadcast_in_dim3A_369 : i32 to vector<512x1xi32>
    %slice3A_371 = vector.extract_strided_slice %mul3A {offsets = [0, 0], sizes = [1, 2048], strides = [1, 1]} : vector<1x4096xf32> to vector<1x2048xf32>
    %ge3A_372 = vector.broadcast %slice3A_371 : vector<1x2048xf32> to vector<512x2048xf32>
    %ge3A_373 = vector.broadcast %slice3A_366 : vector<512x1xf32> to vector<512x2048xf32>
    %ge3A_374 = arith.cmpf oge, %ge3A_372, %ge3A_373 : vector<512x2048xf32>
    %slice3A_375 = vector.extract_strided_slice %get3A_7 {offsets = [0, 0], sizes = [1, 2048], strides = [1, 1]} : vector<1x4096xi32> to vector<1x2048xi32>
    %eq3A_376 = vector.broadcast %slice3A_375 : vector<1x2048xi32> to vector<512x2048xi32>
    %eq3A_377 = vector.broadcast %slice3A_367 : vector<512x1xi32> to vector<512x2048xi32>
    %eq3A_378 = arith.cmpi eq, %eq3A_376, %eq3A_377 : vector<512x2048xi32>
    %and3A_379 = arith.andi %ge3A_374, %eq3A_378 : vector<512x2048xi1>
    %convert_element_type3A_380 = arith.extui %and3A_379 : vector<512x2048xi1> to vector<512x2048xi32>
    %reduce_sum3A_381 = arith.constant dense<0> : vector<512xi32>
    %reduce_sum3A_382 = vector.multi_reduction <add>, %convert_element_type3A_380, %reduce_sum3A_381 [1] : vector<512x2048xi32> to vector<512xi32>
    %broadcast_in_dim3A_383 = vector.shape_cast %reduce_sum3A_382 : vector<512xi32> to vector<512x1xi32>
    %add3A_384 = arith.addi %broadcast_in_dim3A_370, %broadcast_in_dim3A_383 : vector<512x1xi32>
    %slice3A_385 = vector.extract_strided_slice %mul3A {offsets = [0, 3072], sizes = [1, 1024], strides = [1, 1]} : vector<1x4096xf32> to vector<1x1024xf32>
    %gt3A_386 = vector.broadcast %slice3A_385 : vector<1x1024xf32> to vector<512x1024xf32>
    %gt3A_387 = vector.broadcast %slice3A_366 : vector<512x1xf32> to vector<512x1024xf32>
    %gt3A_388 = arith.cmpf ogt, %gt3A_386, %gt3A_387 : vector<512x1024xf32>
    %slice3A_389 = vector.extract_strided_slice %get3A_7 {offsets = [0, 3072], sizes = [1, 1024], strides = [1, 1]} : vector<1x4096xi32> to vector<1x1024xi32>
    %eq3A_390 = vector.broadcast %slice3A_389 : vector<1x1024xi32> to vector<512x1024xi32>
    %eq3A_391 = vector.broadcast %slice3A_367 : vector<512x1xi32> to vector<512x1024xi32>
    %eq3A_392 = arith.cmpi eq, %eq3A_390, %eq3A_391 : vector<512x1024xi32>
    %and3A_393 = arith.andi %gt3A_388, %eq3A_392 : vector<512x1024xi1>
    %convert_element_type3A_394 = arith.extui %and3A_393 : vector<512x1024xi1> to vector<512x1024xi32>
    %reduce_sum3A_395 = arith.constant dense<0> : vector<512xi32>
    %reduce_sum3A_396 = vector.multi_reduction <add>, %convert_element_type3A_394, %reduce_sum3A_395 [1] : vector<512x1024xi32> to vector<512xi32>
    %broadcast_in_dim3A_397 = vector.shape_cast %reduce_sum3A_396 : vector<512xi32> to vector<512x1xi32>
    %add3A_398 = arith.addi %add3A_384, %broadcast_in_dim3A_397 : vector<512x1xi32>
    %slice3A_399 = vector.extract_strided_slice %mul3A {offsets = [0, 2048], sizes = [1, 1024], strides = [1, 1]} : vector<1x4096xf32> to vector<1x1024xf32>
    %slice3A_400 = vector.extract_strided_slice %get3A_7 {offsets = [0, 2048], sizes = [1, 1024], strides = [1, 1]} : vector<1x4096xi32> to vector<1x1024xi32>
    %slice3A_401 = vector.extract_strided_slice %iota3A {offsets = [0, 2048], sizes = [1, 1024], strides = [1, 1]} : vector<1x4096xi32> to vector<1x1024xi32>
    %gt3A_402 = vector.broadcast %slice3A_399 : vector<1x1024xf32> to vector<512x1024xf32>
    %gt3A_403 = vector.broadcast %slice3A_366 : vector<512x1xf32> to vector<512x1024xf32>
    %gt3A_404 = arith.cmpf ogt, %gt3A_402, %gt3A_403 : vector<512x1024xf32>
    %eq3A_405 = vector.broadcast %slice3A_399 : vector<1x1024xf32> to vector<512x1024xf32>
    %eq3A_406 = vector.broadcast %slice3A_366 : vector<512x1xf32> to vector<512x1024xf32>
    %eq3A_407 = arith.cmpf oeq, %eq3A_405, %eq3A_406 : vector<512x1024xf32>
    %lt3A_408 = vector.broadcast %slice3A_401 : vector<1x1024xi32> to vector<512x1024xi32>
    %lt3A_409 = vector.broadcast %slice3A_368 : vector<512x1xi32> to vector<512x1024xi32>
    %lt3A_410 = arith.cmpi slt, %lt3A_408, %lt3A_409 : vector<512x1024xi32>
    %and3A_411 = arith.andi %eq3A_407, %lt3A_410 : vector<512x1024xi1>
    %or3A_412 = arith.ori %gt3A_404, %and3A_411 : vector<512x1024xi1>
    %eq3A_413 = vector.broadcast %slice3A_400 : vector<1x1024xi32> to vector<512x1024xi32>
    %eq3A_414 = vector.broadcast %slice3A_367 : vector<512x1xi32> to vector<512x1024xi32>
    %eq3A_415 = arith.cmpi eq, %eq3A_413, %eq3A_414 : vector<512x1024xi32>
    %and3A_416 = arith.andi %or3A_412, %eq3A_415 : vector<512x1024xi1>
    %convert_element_type3A_417 = arith.extui %and3A_416 : vector<512x1024xi1> to vector<512x1024xi32>
    %reduce_sum3A_418 = arith.constant dense<0> : vector<512xi32>
    %reduce_sum3A_419 = vector.multi_reduction <add>, %convert_element_type3A_417, %reduce_sum3A_418 [1] : vector<512x1024xi32> to vector<512xi32>
    %broadcast_in_dim3A_420 = vector.shape_cast %reduce_sum3A_419 : vector<512xi32> to vector<512x1xi32>
    %add3A_421 = arith.addi %add3A_398, %broadcast_in_dim3A_420 : vector<512x1xi32>
    %slice3A_422 = vector.extract_strided_slice %mul3A_265 {offsets = [1536, 0], sizes = [512, 1], strides = [1, 1]} : vector<2048x1xf32> to vector<512x1xf32>
    %slice3A_423 = vector.extract_strided_slice %get3A_147 {offsets = [1536, 0], sizes = [512, 1], strides = [1, 1]} : vector<2048x1xi32> to vector<512x1xi32>
    %slice3A_424 = vector.extract_strided_slice %add3A_272 {offsets = [1536, 0], sizes = [512, 1], strides = [1, 1]} : vector<2048x1xi32> to vector<512x1xi32>
    %broadcast_in_dim3A_425 = arith.constant 0 : i32
    %broadcast_in_dim3A_426 = vector.broadcast %broadcast_in_dim3A_425 : i32 to vector<512x1xi32>
    %slice3A_427 = vector.extract_strided_slice %mul3A {offsets = [0, 0], sizes = [1, 3072], strides = [1, 1]} : vector<1x4096xf32> to vector<1x3072xf32>
    %ge3A_428 = vector.broadcast %slice3A_427 : vector<1x3072xf32> to vector<512x3072xf32>
    %ge3A_429 = vector.broadcast %slice3A_422 : vector<512x1xf32> to vector<512x3072xf32>
    %ge3A_430 = arith.cmpf oge, %ge3A_428, %ge3A_429 : vector<512x3072xf32>
    %slice3A_431 = vector.extract_strided_slice %get3A_7 {offsets = [0, 0], sizes = [1, 3072], strides = [1, 1]} : vector<1x4096xi32> to vector<1x3072xi32>
    %eq3A_432 = vector.broadcast %slice3A_431 : vector<1x3072xi32> to vector<512x3072xi32>
    %eq3A_433 = vector.broadcast %slice3A_423 : vector<512x1xi32> to vector<512x3072xi32>
    %eq3A_434 = arith.cmpi eq, %eq3A_432, %eq3A_433 : vector<512x3072xi32>
    %and3A_435 = arith.andi %ge3A_430, %eq3A_434 : vector<512x3072xi1>
    %convert_element_type3A_436 = arith.extui %and3A_435 : vector<512x3072xi1> to vector<512x3072xi32>
    %reduce_sum3A_437 = arith.constant dense<0> : vector<512xi32>
    %reduce_sum3A_438 = vector.multi_reduction <add>, %convert_element_type3A_436, %reduce_sum3A_437 [1] : vector<512x3072xi32> to vector<512xi32>
    %broadcast_in_dim3A_439 = vector.shape_cast %reduce_sum3A_438 : vector<512xi32> to vector<512x1xi32>
    %add3A_440 = arith.addi %broadcast_in_dim3A_426, %broadcast_in_dim3A_439 : vector<512x1xi32>
    %slice3A_441 = vector.extract_strided_slice %mul3A {offsets = [0, 3072], sizes = [1, 1024], strides = [1, 1]} : vector<1x4096xf32> to vector<1x1024xf32>
    %slice3A_442 = vector.extract_strided_slice %get3A_7 {offsets = [0, 3072], sizes = [1, 1024], strides = [1, 1]} : vector<1x4096xi32> to vector<1x1024xi32>
    %slice3A_443 = vector.extract_strided_slice %iota3A {offsets = [0, 3072], sizes = [1, 1024], strides = [1, 1]} : vector<1x4096xi32> to vector<1x1024xi32>
    %gt3A_444 = vector.broadcast %slice3A_441 : vector<1x1024xf32> to vector<512x1024xf32>
    %gt3A_445 = vector.broadcast %slice3A_422 : vector<512x1xf32> to vector<512x1024xf32>
    %gt3A_446 = arith.cmpf ogt, %gt3A_444, %gt3A_445 : vector<512x1024xf32>
    %eq3A_447 = vector.broadcast %slice3A_441 : vector<1x1024xf32> to vector<512x1024xf32>
    %eq3A_448 = vector.broadcast %slice3A_422 : vector<512x1xf32> to vector<512x1024xf32>
    %eq3A_449 = arith.cmpf oeq, %eq3A_447, %eq3A_448 : vector<512x1024xf32>
    %lt3A_450 = vector.broadcast %slice3A_443 : vector<1x1024xi32> to vector<512x1024xi32>
    %lt3A_451 = vector.broadcast %slice3A_424 : vector<512x1xi32> to vector<512x1024xi32>
    %lt3A_452 = arith.cmpi slt, %lt3A_450, %lt3A_451 : vector<512x1024xi32>
    %and3A_453 = arith.andi %eq3A_449, %lt3A_452 : vector<512x1024xi1>
    %or3A_454 = arith.ori %gt3A_446, %and3A_453 : vector<512x1024xi1>
    %eq3A_455 = vector.broadcast %slice3A_442 : vector<1x1024xi32> to vector<512x1024xi32>
    %eq3A_456 = vector.broadcast %slice3A_423 : vector<512x1xi32> to vector<512x1024xi32>
    %eq3A_457 = arith.cmpi eq, %eq3A_455, %eq3A_456 : vector<512x1024xi32>
    %and3A_458 = arith.andi %or3A_454, %eq3A_457 : vector<512x1024xi1>
    %convert_element_type3A_459 = arith.extui %and3A_458 : vector<512x1024xi1> to vector<512x1024xi32>
    %reduce_sum3A_460 = arith.constant dense<0> : vector<512xi32>
    %reduce_sum3A_461 = vector.multi_reduction <add>, %convert_element_type3A_459, %reduce_sum3A_460 [1] : vector<512x1024xi32> to vector<512xi32>
    %broadcast_in_dim3A_462 = vector.shape_cast %reduce_sum3A_461 : vector<512xi32> to vector<512x1xi32>
    %add3A_463 = arith.addi %add3A_440, %broadcast_in_dim3A_462 : vector<512x1xi32>
    %concatenate3A = tpu.concatenate %add3A_310, %add3A_365, %add3A_421, %add3A_463 in 0 : vector<512x1xi32>, vector<512x1xi32>, vector<512x1xi32>, vector<512x1xi32> -> vector<2048x1xi32>
    %get3A_464 = arith.constant 0 : index
    %get3A_465 = arith.constant 1 : index
    %get3A_466 = vector.load %arg2[%get3A_464, %get3A_465] : memref<2048x2xi32, #tpu.memory_space<vmem>>, vector<2048x1xi32>
    %get3A_467 = arith.constant 0 : index
    %get3A_468 = arith.constant 1 : index
    %get3A_469 = vector.load %arg1[%get3A_467, %get3A_468] : memref<2048x2xf32, #tpu.memory_space<vmem>>, vector<2048x1xf32>
    %broadcast_in_dim3A_470 = arith.constant 0.000000e+00 : f32
    %broadcast_in_dim3A_471 = vector.broadcast %broadcast_in_dim3A_470 : f32 to vector<2048x1xf32>
    %eq3A_472 = arith.constant 0 : i32
    %eq3A_473 = vector.broadcast %eq3A_472 : i32 to vector<2048x1xi32>
    %eq3A_474 = arith.cmpi eq, %get3A_466, %eq3A_473 : vector<2048x1xi32>
    %slice3A_475 = vector.extract_strided_slice %min3A_4 {offsets = [0, 0], sizes = [1, 1], strides = [1, 1]} : vector<1x16xf32> to vector<1x1xf32>
    %squeeze3A_476 = vector.extract %slice3A_475[0, 0] : f32 from vector<1x1xf32>
    %broadcast_in_dim3A_477 = vector.broadcast %squeeze3A_476 : f32 to vector<2048x1xf32>
    %select_n3A_478 = arith.select %eq3A_474, %broadcast_in_dim3A_477, %broadcast_in_dim3A_471 : vector<2048x1xi1>, vector<2048x1xf32>
    %eq3A_479 = arith.constant 1 : i32
    %eq3A_480 = vector.broadcast %eq3A_479 : i32 to vector<2048x1xi32>
    %eq3A_481 = arith.cmpi eq, %get3A_466, %eq3A_480 : vector<2048x1xi32>
    %slice3A_482 = vector.extract_strided_slice %min3A_4 {offsets = [0, 1], sizes = [1, 1], strides = [1, 1]} : vector<1x16xf32> to vector<1x1xf32>
    %squeeze3A_483 = vector.extract %slice3A_482[0, 0] : f32 from vector<1x1xf32>
    %broadcast_in_dim3A_484 = vector.broadcast %squeeze3A_483 : f32 to vector<2048x1xf32>
    %select_n3A_485 = arith.select %eq3A_481, %broadcast_in_dim3A_484, %select_n3A_478 : vector<2048x1xi1>, vector<2048x1xf32>
    %eq3A_486 = arith.constant 2 : i32
    %eq3A_487 = vector.broadcast %eq3A_486 : i32 to vector<2048x1xi32>
    %eq3A_488 = arith.cmpi eq, %get3A_466, %eq3A_487 : vector<2048x1xi32>
    %slice3A_489 = vector.extract_strided_slice %min3A_4 {offsets = [0, 2], sizes = [1, 1], strides = [1, 1]} : vector<1x16xf32> to vector<1x1xf32>
    %squeeze3A_490 = vector.extract %slice3A_489[0, 0] : f32 from vector<1x1xf32>
    %broadcast_in_dim3A_491 = vector.broadcast %squeeze3A_490 : f32 to vector<2048x1xf32>
    %select_n3A_492 = arith.select %eq3A_488, %broadcast_in_dim3A_491, %select_n3A_485 : vector<2048x1xi1>, vector<2048x1xf32>
    %eq3A_493 = arith.constant 3 : i32
    %eq3A_494 = vector.broadcast %eq3A_493 : i32 to vector<2048x1xi32>
    %eq3A_495 = arith.cmpi eq, %get3A_466, %eq3A_494 : vector<2048x1xi32>
    %slice3A_496 = vector.extract_strided_slice %min3A_4 {offsets = [0, 3], sizes = [1, 1], strides = [1, 1]} : vector<1x16xf32> to vector<1x1xf32>
    %squeeze3A_497 = vector.extract %slice3A_496[0, 0] : f32 from vector<1x1xf32>
    %broadcast_in_dim3A_498 = vector.broadcast %squeeze3A_497 : f32 to vector<2048x1xf32>
    %select_n3A_499 = arith.select %eq3A_495, %broadcast_in_dim3A_498, %select_n3A_492 : vector<2048x1xi1>, vector<2048x1xf32>
    %eq3A_500 = arith.constant 4 : i32
    %eq3A_501 = vector.broadcast %eq3A_500 : i32 to vector<2048x1xi32>
    %eq3A_502 = arith.cmpi eq, %get3A_466, %eq3A_501 : vector<2048x1xi32>
    %slice3A_503 = vector.extract_strided_slice %min3A_4 {offsets = [0, 4], sizes = [1, 1], strides = [1, 1]} : vector<1x16xf32> to vector<1x1xf32>
    %squeeze3A_504 = vector.extract %slice3A_503[0, 0] : f32 from vector<1x1xf32>
    %broadcast_in_dim3A_505 = vector.broadcast %squeeze3A_504 : f32 to vector<2048x1xf32>
    %select_n3A_506 = arith.select %eq3A_502, %broadcast_in_dim3A_505, %select_n3A_499 : vector<2048x1xi1>, vector<2048x1xf32>
    %eq3A_507 = arith.constant 5 : i32
    %eq3A_508 = vector.broadcast %eq3A_507 : i32 to vector<2048x1xi32>
    %eq3A_509 = arith.cmpi eq, %get3A_466, %eq3A_508 : vector<2048x1xi32>
    %slice3A_510 = vector.extract_strided_slice %min3A_4 {offsets = [0, 5], sizes = [1, 1], strides = [1, 1]} : vector<1x16xf32> to vector<1x1xf32>
    %squeeze3A_511 = vector.extract %slice3A_510[0, 0] : f32 from vector<1x1xf32>
    %broadcast_in_dim3A_512 = vector.broadcast %squeeze3A_511 : f32 to vector<2048x1xf32>
    %select_n3A_513 = arith.select %eq3A_509, %broadcast_in_dim3A_512, %select_n3A_506 : vector<2048x1xi1>, vector<2048x1xf32>
    %eq3A_514 = arith.constant 6 : i32
    %eq3A_515 = vector.broadcast %eq3A_514 : i32 to vector<2048x1xi32>
    %eq3A_516 = arith.cmpi eq, %get3A_466, %eq3A_515 : vector<2048x1xi32>
    %slice3A_517 = vector.extract_strided_slice %min3A_4 {offsets = [0, 6], sizes = [1, 1], strides = [1, 1]} : vector<1x16xf32> to vector<1x1xf32>
    %squeeze3A_518 = vector.extract %slice3A_517[0, 0] : f32 from vector<1x1xf32>
    %broadcast_in_dim3A_519 = vector.broadcast %squeeze3A_518 : f32 to vector<2048x1xf32>
    %select_n3A_520 = arith.select %eq3A_516, %broadcast_in_dim3A_519, %select_n3A_513 : vector<2048x1xi1>, vector<2048x1xf32>
    %eq3A_521 = arith.constant 7 : i32
    %eq3A_522 = vector.broadcast %eq3A_521 : i32 to vector<2048x1xi32>
    %eq3A_523 = arith.cmpi eq, %get3A_466, %eq3A_522 : vector<2048x1xi32>
    %slice3A_524 = vector.extract_strided_slice %min3A_4 {offsets = [0, 7], sizes = [1, 1], strides = [1, 1]} : vector<1x16xf32> to vector<1x1xf32>
    %squeeze3A_525 = vector.extract %slice3A_524[0, 0] : f32 from vector<1x1xf32>
    %broadcast_in_dim3A_526 = vector.broadcast %squeeze3A_525 : f32 to vector<2048x1xf32>
    %select_n3A_527 = arith.select %eq3A_523, %broadcast_in_dim3A_526, %select_n3A_520 : vector<2048x1xi1>, vector<2048x1xf32>
    %eq3A_528 = arith.constant 8 : i32
    %eq3A_529 = vector.broadcast %eq3A_528 : i32 to vector<2048x1xi32>
    %eq3A_530 = arith.cmpi eq, %get3A_466, %eq3A_529 : vector<2048x1xi32>
    %slice3A_531 = vector.extract_strided_slice %min3A_4 {offsets = [0, 8], sizes = [1, 1], strides = [1, 1]} : vector<1x16xf32> to vector<1x1xf32>
    %squeeze3A_532 = vector.extract %slice3A_531[0, 0] : f32 from vector<1x1xf32>
    %broadcast_in_dim3A_533 = vector.broadcast %squeeze3A_532 : f32 to vector<2048x1xf32>
    %select_n3A_534 = arith.select %eq3A_530, %broadcast_in_dim3A_533, %select_n3A_527 : vector<2048x1xi1>, vector<2048x1xf32>
    %eq3A_535 = arith.constant 9 : i32
    %eq3A_536 = vector.broadcast %eq3A_535 : i32 to vector<2048x1xi32>
    %eq3A_537 = arith.cmpi eq, %get3A_466, %eq3A_536 : vector<2048x1xi32>
    %slice3A_538 = vector.extract_strided_slice %min3A_4 {offsets = [0, 9], sizes = [1, 1], strides = [1, 1]} : vector<1x16xf32> to vector<1x1xf32>
    %squeeze3A_539 = vector.extract %slice3A_538[0, 0] : f32 from vector<1x1xf32>
    %broadcast_in_dim3A_540 = vector.broadcast %squeeze3A_539 : f32 to vector<2048x1xf32>
    %select_n3A_541 = arith.select %eq3A_537, %broadcast_in_dim3A_540, %select_n3A_534 : vector<2048x1xi1>, vector<2048x1xf32>
    %eq3A_542 = arith.constant 10 : i32
    %eq3A_543 = vector.broadcast %eq3A_542 : i32 to vector<2048x1xi32>
    %eq3A_544 = arith.cmpi eq, %get3A_466, %eq3A_543 : vector<2048x1xi32>
    %slice3A_545 = vector.extract_strided_slice %min3A_4 {offsets = [0, 10], sizes = [1, 1], strides = [1, 1]} : vector<1x16xf32> to vector<1x1xf32>
    %squeeze3A_546 = vector.extract %slice3A_545[0, 0] : f32 from vector<1x1xf32>
    %broadcast_in_dim3A_547 = vector.broadcast %squeeze3A_546 : f32 to vector<2048x1xf32>
    %select_n3A_548 = arith.select %eq3A_544, %broadcast_in_dim3A_547, %select_n3A_541 : vector<2048x1xi1>, vector<2048x1xf32>
    %eq3A_549 = arith.constant 11 : i32
    %eq3A_550 = vector.broadcast %eq3A_549 : i32 to vector<2048x1xi32>
    %eq3A_551 = arith.cmpi eq, %get3A_466, %eq3A_550 : vector<2048x1xi32>
    %slice3A_552 = vector.extract_strided_slice %min3A_4 {offsets = [0, 11], sizes = [1, 1], strides = [1, 1]} : vector<1x16xf32> to vector<1x1xf32>
    %squeeze3A_553 = vector.extract %slice3A_552[0, 0] : f32 from vector<1x1xf32>
    %broadcast_in_dim3A_554 = vector.broadcast %squeeze3A_553 : f32 to vector<2048x1xf32>
    %select_n3A_555 = arith.select %eq3A_551, %broadcast_in_dim3A_554, %select_n3A_548 : vector<2048x1xi1>, vector<2048x1xf32>
    %eq3A_556 = arith.constant 12 : i32
    %eq3A_557 = vector.broadcast %eq3A_556 : i32 to vector<2048x1xi32>
    %eq3A_558 = arith.cmpi eq, %get3A_466, %eq3A_557 : vector<2048x1xi32>
    %slice3A_559 = vector.extract_strided_slice %min3A_4 {offsets = [0, 12], sizes = [1, 1], strides = [1, 1]} : vector<1x16xf32> to vector<1x1xf32>
    %squeeze3A_560 = vector.extract %slice3A_559[0, 0] : f32 from vector<1x1xf32>
    %broadcast_in_dim3A_561 = vector.broadcast %squeeze3A_560 : f32 to vector<2048x1xf32>
    %select_n3A_562 = arith.select %eq3A_558, %broadcast_in_dim3A_561, %select_n3A_555 : vector<2048x1xi1>, vector<2048x1xf32>
    %eq3A_563 = arith.constant 13 : i32
    %eq3A_564 = vector.broadcast %eq3A_563 : i32 to vector<2048x1xi32>
    %eq3A_565 = arith.cmpi eq, %get3A_466, %eq3A_564 : vector<2048x1xi32>
    %slice3A_566 = vector.extract_strided_slice %min3A_4 {offsets = [0, 13], sizes = [1, 1], strides = [1, 1]} : vector<1x16xf32> to vector<1x1xf32>
    %squeeze3A_567 = vector.extract %slice3A_566[0, 0] : f32 from vector<1x1xf32>
    %broadcast_in_dim3A_568 = vector.broadcast %squeeze3A_567 : f32 to vector<2048x1xf32>
    %select_n3A_569 = arith.select %eq3A_565, %broadcast_in_dim3A_568, %select_n3A_562 : vector<2048x1xi1>, vector<2048x1xf32>
    %eq3A_570 = arith.constant 14 : i32
    %eq3A_571 = vector.broadcast %eq3A_570 : i32 to vector<2048x1xi32>
    %eq3A_572 = arith.cmpi eq, %get3A_466, %eq3A_571 : vector<2048x1xi32>
    %slice3A_573 = vector.extract_strided_slice %min3A_4 {offsets = [0, 14], sizes = [1, 1], strides = [1, 1]} : vector<1x16xf32> to vector<1x1xf32>
    %squeeze3A_574 = vector.extract %slice3A_573[0, 0] : f32 from vector<1x1xf32>
    %broadcast_in_dim3A_575 = vector.broadcast %squeeze3A_574 : f32 to vector<2048x1xf32>
    %select_n3A_576 = arith.select %eq3A_572, %broadcast_in_dim3A_575, %select_n3A_569 : vector<2048x1xi1>, vector<2048x1xf32>
    %eq3A_577 = arith.constant 15 : i32
    %eq3A_578 = vector.broadcast %eq3A_577 : i32 to vector<2048x1xi32>
    %eq3A_579 = arith.cmpi eq, %get3A_466, %eq3A_578 : vector<2048x1xi32>
    %slice3A_580 = vector.extract_strided_slice %min3A_4 {offsets = [0, 15], sizes = [1, 1], strides = [1, 1]} : vector<1x16xf32> to vector<1x1xf32>
    %squeeze3A_581 = vector.extract %slice3A_580[0, 0] : f32 from vector<1x1xf32>
    %broadcast_in_dim3A_582 = vector.broadcast %squeeze3A_581 : f32 to vector<2048x1xf32>
    %select_n3A_583 = arith.select %eq3A_579, %broadcast_in_dim3A_582, %select_n3A_576 : vector<2048x1xi1>, vector<2048x1xf32>
    %mul3A_584 = arith.mulf %get3A_469, %select_n3A_583 : vector<2048x1xf32>
    %iota3A_585 = tpu.iota {dimensions = array<i32: 0>} : vector<2048x1xi32>
    %mul3A_586 = arith.constant 2 : i32
    %mul3A_587 = vector.broadcast %mul3A_586 : i32 to vector<2048x1xi32>
    %mul3A_588 = arith.muli %iota3A_585, %mul3A_587 : vector<2048x1xi32>
    %add3A_589 = arith.constant 1 : i32
    %add3A_590 = vector.broadcast %add3A_589 : i32 to vector<2048x1xi32>
    %add3A_591 = arith.addi %mul3A_588, %add3A_590 : vector<2048x1xi32>
    %slice3A_592 = vector.extract_strided_slice %mul3A_584 {offsets = [0, 0], sizes = [512, 1], strides = [1, 1]} : vector<2048x1xf32> to vector<512x1xf32>
    %slice3A_593 = vector.extract_strided_slice %get3A_466 {offsets = [0, 0], sizes = [512, 1], strides = [1, 1]} : vector<2048x1xi32> to vector<512x1xi32>
    %slice3A_594 = vector.extract_strided_slice %add3A_591 {offsets = [0, 0], sizes = [512, 1], strides = [1, 1]} : vector<2048x1xi32> to vector<512x1xi32>
    %broadcast_in_dim3A_595 = arith.constant 0 : i32
    %broadcast_in_dim3A_596 = vector.broadcast %broadcast_in_dim3A_595 : i32 to vector<512x1xi32>
    %slice3A_597 = vector.extract_strided_slice %mul3A {offsets = [0, 1024], sizes = [1, 3072], strides = [1, 1]} : vector<1x4096xf32> to vector<1x3072xf32>
    %gt3A_598 = vector.broadcast %slice3A_597 : vector<1x3072xf32> to vector<512x3072xf32>
    %gt3A_599 = vector.broadcast %slice3A_592 : vector<512x1xf32> to vector<512x3072xf32>
    %gt3A_600 = arith.cmpf ogt, %gt3A_598, %gt3A_599 : vector<512x3072xf32>
    %slice3A_601 = vector.extract_strided_slice %get3A_7 {offsets = [0, 1024], sizes = [1, 3072], strides = [1, 1]} : vector<1x4096xi32> to vector<1x3072xi32>
    %eq3A_602 = vector.broadcast %slice3A_601 : vector<1x3072xi32> to vector<512x3072xi32>
    %eq3A_603 = vector.broadcast %slice3A_593 : vector<512x1xi32> to vector<512x3072xi32>
    %eq3A_604 = arith.cmpi eq, %eq3A_602, %eq3A_603 : vector<512x3072xi32>
    %and3A_605 = arith.andi %gt3A_600, %eq3A_604 : vector<512x3072xi1>
    %convert_element_type3A_606 = arith.extui %and3A_605 : vector<512x3072xi1> to vector<512x3072xi32>
    %reduce_sum3A_607 = arith.constant dense<0> : vector<512xi32>
    %reduce_sum3A_608 = vector.multi_reduction <add>, %convert_element_type3A_606, %reduce_sum3A_607 [1] : vector<512x3072xi32> to vector<512xi32>
    %broadcast_in_dim3A_609 = vector.shape_cast %reduce_sum3A_608 : vector<512xi32> to vector<512x1xi32>
    %add3A_610 = arith.addi %broadcast_in_dim3A_596, %broadcast_in_dim3A_609 : vector<512x1xi32>
    %slice3A_611 = vector.extract_strided_slice %mul3A {offsets = [0, 0], sizes = [1, 1024], strides = [1, 1]} : vector<1x4096xf32> to vector<1x1024xf32>
    %slice3A_612 = vector.extract_strided_slice %get3A_7 {offsets = [0, 0], sizes = [1, 1024], strides = [1, 1]} : vector<1x4096xi32> to vector<1x1024xi32>
    %slice3A_613 = vector.extract_strided_slice %iota3A {offsets = [0, 0], sizes = [1, 1024], strides = [1, 1]} : vector<1x4096xi32> to vector<1x1024xi32>
    %gt3A_614 = vector.broadcast %slice3A_611 : vector<1x1024xf32> to vector<512x1024xf32>
    %gt3A_615 = vector.broadcast %slice3A_592 : vector<512x1xf32> to vector<512x1024xf32>
    %gt3A_616 = arith.cmpf ogt, %gt3A_614, %gt3A_615 : vector<512x1024xf32>
    %eq3A_617 = vector.broadcast %slice3A_611 : vector<1x1024xf32> to vector<512x1024xf32>
    %eq3A_618 = vector.broadcast %slice3A_592 : vector<512x1xf32> to vector<512x1024xf32>
    %eq3A_619 = arith.cmpf oeq, %eq3A_617, %eq3A_618 : vector<512x1024xf32>
    %lt3A_620 = vector.broadcast %slice3A_613 : vector<1x1024xi32> to vector<512x1024xi32>
    %lt3A_621 = vector.broadcast %slice3A_594 : vector<512x1xi32> to vector<512x1024xi32>
    %lt3A_622 = arith.cmpi slt, %lt3A_620, %lt3A_621 : vector<512x1024xi32>
    %and3A_623 = arith.andi %eq3A_619, %lt3A_622 : vector<512x1024xi1>
    %or3A_624 = arith.ori %gt3A_616, %and3A_623 : vector<512x1024xi1>
    %eq3A_625 = vector.broadcast %slice3A_612 : vector<1x1024xi32> to vector<512x1024xi32>
    %eq3A_626 = vector.broadcast %slice3A_593 : vector<512x1xi32> to vector<512x1024xi32>
    %eq3A_627 = arith.cmpi eq, %eq3A_625, %eq3A_626 : vector<512x1024xi32>
    %and3A_628 = arith.andi %or3A_624, %eq3A_627 : vector<512x1024xi1>
    %convert_element_type3A_629 = arith.extui %and3A_628 : vector<512x1024xi1> to vector<512x1024xi32>
    %reduce_sum3A_630 = arith.constant dense<0> : vector<512xi32>
    %reduce_sum3A_631 = vector.multi_reduction <add>, %convert_element_type3A_629, %reduce_sum3A_630 [1] : vector<512x1024xi32> to vector<512xi32>
    %broadcast_in_dim3A_632 = vector.shape_cast %reduce_sum3A_631 : vector<512xi32> to vector<512x1xi32>
    %add3A_633 = arith.addi %add3A_610, %broadcast_in_dim3A_632 : vector<512x1xi32>
    %slice3A_634 = vector.extract_strided_slice %mul3A_584 {offsets = [512, 0], sizes = [512, 1], strides = [1, 1]} : vector<2048x1xf32> to vector<512x1xf32>
    %slice3A_635 = vector.extract_strided_slice %get3A_466 {offsets = [512, 0], sizes = [512, 1], strides = [1, 1]} : vector<2048x1xi32> to vector<512x1xi32>
    %slice3A_636 = vector.extract_strided_slice %add3A_591 {offsets = [512, 0], sizes = [512, 1], strides = [1, 1]} : vector<2048x1xi32> to vector<512x1xi32>
    %broadcast_in_dim3A_637 = arith.constant 0 : i32
    %broadcast_in_dim3A_638 = vector.broadcast %broadcast_in_dim3A_637 : i32 to vector<512x1xi32>
    %slice3A_639 = vector.extract_strided_slice %mul3A {offsets = [0, 0], sizes = [1, 1024], strides = [1, 1]} : vector<1x4096xf32> to vector<1x1024xf32>
    %ge3A_640 = vector.broadcast %slice3A_639 : vector<1x1024xf32> to vector<512x1024xf32>
    %ge3A_641 = vector.broadcast %slice3A_634 : vector<512x1xf32> to vector<512x1024xf32>
    %ge3A_642 = arith.cmpf oge, %ge3A_640, %ge3A_641 : vector<512x1024xf32>
    %slice3A_643 = vector.extract_strided_slice %get3A_7 {offsets = [0, 0], sizes = [1, 1024], strides = [1, 1]} : vector<1x4096xi32> to vector<1x1024xi32>
    %eq3A_644 = vector.broadcast %slice3A_643 : vector<1x1024xi32> to vector<512x1024xi32>
    %eq3A_645 = vector.broadcast %slice3A_635 : vector<512x1xi32> to vector<512x1024xi32>
    %eq3A_646 = arith.cmpi eq, %eq3A_644, %eq3A_645 : vector<512x1024xi32>
    %and3A_647 = arith.andi %ge3A_642, %eq3A_646 : vector<512x1024xi1>
    %convert_element_type3A_648 = arith.extui %and3A_647 : vector<512x1024xi1> to vector<512x1024xi32>
    %reduce_sum3A_649 = arith.constant dense<0> : vector<512xi32>
    %reduce_sum3A_650 = vector.multi_reduction <add>, %convert_element_type3A_648, %reduce_sum3A_649 [1] : vector<512x1024xi32> to vector<512xi32>
    %broadcast_in_dim3A_651 = vector.shape_cast %reduce_sum3A_650 : vector<512xi32> to vector<512x1xi32>
    %add3A_652 = arith.addi %broadcast_in_dim3A_638, %broadcast_in_dim3A_651 : vector<512x1xi32>
    %slice3A_653 = vector.extract_strided_slice %mul3A {offsets = [0, 2048], sizes = [1, 2048], strides = [1, 1]} : vector<1x4096xf32> to vector<1x2048xf32>
    %gt3A_654 = vector.broadcast %slice3A_653 : vector<1x2048xf32> to vector<512x2048xf32>
    %gt3A_655 = vector.broadcast %slice3A_634 : vector<512x1xf32> to vector<512x2048xf32>
    %gt3A_656 = arith.cmpf ogt, %gt3A_654, %gt3A_655 : vector<512x2048xf32>
    %slice3A_657 = vector.extract_strided_slice %get3A_7 {offsets = [0, 2048], sizes = [1, 2048], strides = [1, 1]} : vector<1x4096xi32> to vector<1x2048xi32>
    %eq3A_658 = vector.broadcast %slice3A_657 : vector<1x2048xi32> to vector<512x2048xi32>
    %eq3A_659 = vector.broadcast %slice3A_635 : vector<512x1xi32> to vector<512x2048xi32>
    %eq3A_660 = arith.cmpi eq, %eq3A_658, %eq3A_659 : vector<512x2048xi32>
    %and3A_661 = arith.andi %gt3A_656, %eq3A_660 : vector<512x2048xi1>
    %convert_element_type3A_662 = arith.extui %and3A_661 : vector<512x2048xi1> to vector<512x2048xi32>
    %reduce_sum3A_663 = arith.constant dense<0> : vector<512xi32>
    %reduce_sum3A_664 = vector.multi_reduction <add>, %convert_element_type3A_662, %reduce_sum3A_663 [1] : vector<512x2048xi32> to vector<512xi32>
    %broadcast_in_dim3A_665 = vector.shape_cast %reduce_sum3A_664 : vector<512xi32> to vector<512x1xi32>
    %add3A_666 = arith.addi %add3A_652, %broadcast_in_dim3A_665 : vector<512x1xi32>
    %slice3A_667 = vector.extract_strided_slice %mul3A {offsets = [0, 1024], sizes = [1, 1024], strides = [1, 1]} : vector<1x4096xf32> to vector<1x1024xf32>
    %slice3A_668 = vector.extract_strided_slice %get3A_7 {offsets = [0, 1024], sizes = [1, 1024], strides = [1, 1]} : vector<1x4096xi32> to vector<1x1024xi32>
    %slice3A_669 = vector.extract_strided_slice %iota3A {offsets = [0, 1024], sizes = [1, 1024], strides = [1, 1]} : vector<1x4096xi32> to vector<1x1024xi32>
    %gt3A_670 = vector.broadcast %slice3A_667 : vector<1x1024xf32> to vector<512x1024xf32>
    %gt3A_671 = vector.broadcast %slice3A_634 : vector<512x1xf32> to vector<512x1024xf32>
    %gt3A_672 = arith.cmpf ogt, %gt3A_670, %gt3A_671 : vector<512x1024xf32>
    %eq3A_673 = vector.broadcast %slice3A_667 : vector<1x1024xf32> to vector<512x1024xf32>
    %eq3A_674 = vector.broadcast %slice3A_634 : vector<512x1xf32> to vector<512x1024xf32>
    %eq3A_675 = arith.cmpf oeq, %eq3A_673, %eq3A_674 : vector<512x1024xf32>
    %lt3A_676 = vector.broadcast %slice3A_669 : vector<1x1024xi32> to vector<512x1024xi32>
    %lt3A_677 = vector.broadcast %slice3A_636 : vector<512x1xi32> to vector<512x1024xi32>
    %lt3A_678 = arith.cmpi slt, %lt3A_676, %lt3A_677 : vector<512x1024xi32>
    %and3A_679 = arith.andi %eq3A_675, %lt3A_678 : vector<512x1024xi1>
    %or3A_680 = arith.ori %gt3A_672, %and3A_679 : vector<512x1024xi1>
    %eq3A_681 = vector.broadcast %slice3A_668 : vector<1x1024xi32> to vector<512x1024xi32>
    %eq3A_682 = vector.broadcast %slice3A_635 : vector<512x1xi32> to vector<512x1024xi32>
    %eq3A_683 = arith.cmpi eq, %eq3A_681, %eq3A_682 : vector<512x1024xi32>
    %and3A_684 = arith.andi %or3A_680, %eq3A_683 : vector<512x1024xi1>
    %convert_element_type3A_685 = arith.extui %and3A_684 : vector<512x1024xi1> to vector<512x1024xi32>
    %reduce_sum3A_686 = arith.constant dense<0> : vector<512xi32>
    %reduce_sum3A_687 = vector.multi_reduction <add>, %convert_element_type3A_685, %reduce_sum3A_686 [1] : vector<512x1024xi32> to vector<512xi32>
    %broadcast_in_dim3A_688 = vector.shape_cast %reduce_sum3A_687 : vector<512xi32> to vector<512x1xi32>
    %add3A_689 = arith.addi %add3A_666, %broadcast_in_dim3A_688 : vector<512x1xi32>
    %slice3A_690 = vector.extract_strided_slice %mul3A_584 {offsets = [1024, 0], sizes = [512, 1], strides = [1, 1]} : vector<2048x1xf32> to vector<512x1xf32>
    %slice3A_691 = vector.extract_strided_slice %get3A_466 {offsets = [1024, 0], sizes = [512, 1], strides = [1, 1]} : vector<2048x1xi32> to vector<512x1xi32>
    %slice3A_692 = vector.extract_strided_slice %add3A_591 {offsets = [1024, 0], sizes = [512, 1], strides = [1, 1]} : vector<2048x1xi32> to vector<512x1xi32>
    %broadcast_in_dim3A_693 = arith.constant 0 : i32
    %broadcast_in_dim3A_694 = vector.broadcast %broadcast_in_dim3A_693 : i32 to vector<512x1xi32>
    %slice3A_695 = vector.extract_strided_slice %mul3A {offsets = [0, 0], sizes = [1, 2048], strides = [1, 1]} : vector<1x4096xf32> to vector<1x2048xf32>
    %ge3A_696 = vector.broadcast %slice3A_695 : vector<1x2048xf32> to vector<512x2048xf32>
    %ge3A_697 = vector.broadcast %slice3A_690 : vector<512x1xf32> to vector<512x2048xf32>
    %ge3A_698 = arith.cmpf oge, %ge3A_696, %ge3A_697 : vector<512x2048xf32>
    %slice3A_699 = vector.extract_strided_slice %get3A_7 {offsets = [0, 0], sizes = [1, 2048], strides = [1, 1]} : vector<1x4096xi32> to vector<1x2048xi32>
    %eq3A_700 = vector.broadcast %slice3A_699 : vector<1x2048xi32> to vector<512x2048xi32>
    %eq3A_701 = vector.broadcast %slice3A_691 : vector<512x1xi32> to vector<512x2048xi32>
    %eq3A_702 = arith.cmpi eq, %eq3A_700, %eq3A_701 : vector<512x2048xi32>
    %and3A_703 = arith.andi %ge3A_698, %eq3A_702 : vector<512x2048xi1>
    %convert_element_type3A_704 = arith.extui %and3A_703 : vector<512x2048xi1> to vector<512x2048xi32>
    %reduce_sum3A_705 = arith.constant dense<0> : vector<512xi32>
    %reduce_sum3A_706 = vector.multi_reduction <add>, %convert_element_type3A_704, %reduce_sum3A_705 [1] : vector<512x2048xi32> to vector<512xi32>
    %broadcast_in_dim3A_707 = vector.shape_cast %reduce_sum3A_706 : vector<512xi32> to vector<512x1xi32>
    %add3A_708 = arith.addi %broadcast_in_dim3A_694, %broadcast_in_dim3A_707 : vector<512x1xi32>
    %slice3A_709 = vector.extract_strided_slice %mul3A {offsets = [0, 3072], sizes = [1, 1024], strides = [1, 1]} : vector<1x4096xf32> to vector<1x1024xf32>
    %gt3A_710 = vector.broadcast %slice3A_709 : vector<1x1024xf32> to vector<512x1024xf32>
    %gt3A_711 = vector.broadcast %slice3A_690 : vector<512x1xf32> to vector<512x1024xf32>
    %gt3A_712 = arith.cmpf ogt, %gt3A_710, %gt3A_711 : vector<512x1024xf32>
    %slice3A_713 = vector.extract_strided_slice %get3A_7 {offsets = [0, 3072], sizes = [1, 1024], strides = [1, 1]} : vector<1x4096xi32> to vector<1x1024xi32>
    %eq3A_714 = vector.broadcast %slice3A_713 : vector<1x1024xi32> to vector<512x1024xi32>
    %eq3A_715 = vector.broadcast %slice3A_691 : vector<512x1xi32> to vector<512x1024xi32>
    %eq3A_716 = arith.cmpi eq, %eq3A_714, %eq3A_715 : vector<512x1024xi32>
    %and3A_717 = arith.andi %gt3A_712, %eq3A_716 : vector<512x1024xi1>
    %convert_element_type3A_718 = arith.extui %and3A_717 : vector<512x1024xi1> to vector<512x1024xi32>
    %reduce_sum3A_719 = arith.constant dense<0> : vector<512xi32>
    %reduce_sum3A_720 = vector.multi_reduction <add>, %convert_element_type3A_718, %reduce_sum3A_719 [1] : vector<512x1024xi32> to vector<512xi32>
    %broadcast_in_dim3A_721 = vector.shape_cast %reduce_sum3A_720 : vector<512xi32> to vector<512x1xi32>
    %add3A_722 = arith.addi %add3A_708, %broadcast_in_dim3A_721 : vector<512x1xi32>
    %slice3A_723 = vector.extract_strided_slice %mul3A {offsets = [0, 2048], sizes = [1, 1024], strides = [1, 1]} : vector<1x4096xf32> to vector<1x1024xf32>
    %slice3A_724 = vector.extract_strided_slice %get3A_7 {offsets = [0, 2048], sizes = [1, 1024], strides = [1, 1]} : vector<1x4096xi32> to vector<1x1024xi32>
    %slice3A_725 = vector.extract_strided_slice %iota3A {offsets = [0, 2048], sizes = [1, 1024], strides = [1, 1]} : vector<1x4096xi32> to vector<1x1024xi32>
    %gt3A_726 = vector.broadcast %slice3A_723 : vector<1x1024xf32> to vector<512x1024xf32>
    %gt3A_727 = vector.broadcast %slice3A_690 : vector<512x1xf32> to vector<512x1024xf32>
    %gt3A_728 = arith.cmpf ogt, %gt3A_726, %gt3A_727 : vector<512x1024xf32>
    %eq3A_729 = vector.broadcast %slice3A_723 : vector<1x1024xf32> to vector<512x1024xf32>
    %eq3A_730 = vector.broadcast %slice3A_690 : vector<512x1xf32> to vector<512x1024xf32>
    %eq3A_731 = arith.cmpf oeq, %eq3A_729, %eq3A_730 : vector<512x1024xf32>
    %lt3A_732 = vector.broadcast %slice3A_725 : vector<1x1024xi32> to vector<512x1024xi32>
    %lt3A_733 = vector.broadcast %slice3A_692 : vector<512x1xi32> to vector<512x1024xi32>
    %lt3A_734 = arith.cmpi slt, %lt3A_732, %lt3A_733 : vector<512x1024xi32>
    %and3A_735 = arith.andi %eq3A_731, %lt3A_734 : vector<512x1024xi1>
    %or3A_736 = arith.ori %gt3A_728, %and3A_735 : vector<512x1024xi1>
    %eq3A_737 = vector.broadcast %slice3A_724 : vector<1x1024xi32> to vector<512x1024xi32>
    %eq3A_738 = vector.broadcast %slice3A_691 : vector<512x1xi32> to vector<512x1024xi32>
    %eq3A_739 = arith.cmpi eq, %eq3A_737, %eq3A_738 : vector<512x1024xi32>
    %and3A_740 = arith.andi %or3A_736, %eq3A_739 : vector<512x1024xi1>
    %convert_element_type3A_741 = arith.extui %and3A_740 : vector<512x1024xi1> to vector<512x1024xi32>
    %reduce_sum3A_742 = arith.constant dense<0> : vector<512xi32>
    %reduce_sum3A_743 = vector.multi_reduction <add>, %convert_element_type3A_741, %reduce_sum3A_742 [1] : vector<512x1024xi32> to vector<512xi32>
    %broadcast_in_dim3A_744 = vector.shape_cast %reduce_sum3A_743 : vector<512xi32> to vector<512x1xi32>
    %add3A_745 = arith.addi %add3A_722, %broadcast_in_dim3A_744 : vector<512x1xi32>
    %slice3A_746 = vector.extract_strided_slice %mul3A_584 {offsets = [1536, 0], sizes = [512, 1], strides = [1, 1]} : vector<2048x1xf32> to vector<512x1xf32>
    %slice3A_747 = vector.extract_strided_slice %get3A_466 {offsets = [1536, 0], sizes = [512, 1], strides = [1, 1]} : vector<2048x1xi32> to vector<512x1xi32>
    %slice3A_748 = vector.extract_strided_slice %add3A_591 {offsets = [1536, 0], sizes = [512, 1], strides = [1, 1]} : vector<2048x1xi32> to vector<512x1xi32>
    %broadcast_in_dim3A_749 = arith.constant 0 : i32
    %broadcast_in_dim3A_750 = vector.broadcast %broadcast_in_dim3A_749 : i32 to vector<512x1xi32>
    %slice3A_751 = vector.extract_strided_slice %mul3A {offsets = [0, 0], sizes = [1, 3072], strides = [1, 1]} : vector<1x4096xf32> to vector<1x3072xf32>
    %ge3A_752 = vector.broadcast %slice3A_751 : vector<1x3072xf32> to vector<512x3072xf32>
    %ge3A_753 = vector.broadcast %slice3A_746 : vector<512x1xf32> to vector<512x3072xf32>
    %ge3A_754 = arith.cmpf oge, %ge3A_752, %ge3A_753 : vector<512x3072xf32>
    %slice3A_755 = vector.extract_strided_slice %get3A_7 {offsets = [0, 0], sizes = [1, 3072], strides = [1, 1]} : vector<1x4096xi32> to vector<1x3072xi32>
    %eq3A_756 = vector.broadcast %slice3A_755 : vector<1x3072xi32> to vector<512x3072xi32>
    %eq3A_757 = vector.broadcast %slice3A_747 : vector<512x1xi32> to vector<512x3072xi32>
    %eq3A_758 = arith.cmpi eq, %eq3A_756, %eq3A_757 : vector<512x3072xi32>
    %and3A_759 = arith.andi %ge3A_754, %eq3A_758 : vector<512x3072xi1>
    %convert_element_type3A_760 = arith.extui %and3A_759 : vector<512x3072xi1> to vector<512x3072xi32>
    %reduce_sum3A_761 = arith.constant dense<0> : vector<512xi32>
    %reduce_sum3A_762 = vector.multi_reduction <add>, %convert_element_type3A_760, %reduce_sum3A_761 [1] : vector<512x3072xi32> to vector<512xi32>
    %broadcast_in_dim3A_763 = vector.shape_cast %reduce_sum3A_762 : vector<512xi32> to vector<512x1xi32>
    %add3A_764 = arith.addi %broadcast_in_dim3A_750, %broadcast_in_dim3A_763 : vector<512x1xi32>
    %slice3A_765 = vector.extract_strided_slice %mul3A {offsets = [0, 3072], sizes = [1, 1024], strides = [1, 1]} : vector<1x4096xf32> to vector<1x1024xf32>
    %slice3A_766 = vector.extract_strided_slice %get3A_7 {offsets = [0, 3072], sizes = [1, 1024], strides = [1, 1]} : vector<1x4096xi32> to vector<1x1024xi32>
    %slice3A_767 = vector.extract_strided_slice %iota3A {offsets = [0, 3072], sizes = [1, 1024], strides = [1, 1]} : vector<1x4096xi32> to vector<1x1024xi32>
    %gt3A_768 = vector.broadcast %slice3A_765 : vector<1x1024xf32> to vector<512x1024xf32>
    %gt3A_769 = vector.broadcast %slice3A_746 : vector<512x1xf32> to vector<512x1024xf32>
    %gt3A_770 = arith.cmpf ogt, %gt3A_768, %gt3A_769 : vector<512x1024xf32>
    %eq3A_771 = vector.broadcast %slice3A_765 : vector<1x1024xf32> to vector<512x1024xf32>
    %eq3A_772 = vector.broadcast %slice3A_746 : vector<512x1xf32> to vector<512x1024xf32>
    %eq3A_773 = arith.cmpf oeq, %eq3A_771, %eq3A_772 : vector<512x1024xf32>
    %lt3A_774 = vector.broadcast %slice3A_767 : vector<1x1024xi32> to vector<512x1024xi32>
    %lt3A_775 = vector.broadcast %slice3A_748 : vector<512x1xi32> to vector<512x1024xi32>
    %lt3A_776 = arith.cmpi slt, %lt3A_774, %lt3A_775 : vector<512x1024xi32>
    %and3A_777 = arith.andi %eq3A_773, %lt3A_776 : vector<512x1024xi1>
    %or3A_778 = arith.ori %gt3A_770, %and3A_777 : vector<512x1024xi1>
    %eq3A_779 = vector.broadcast %slice3A_766 : vector<1x1024xi32> to vector<512x1024xi32>
    %eq3A_780 = vector.broadcast %slice3A_747 : vector<512x1xi32> to vector<512x1024xi32>
    %eq3A_781 = arith.cmpi eq, %eq3A_779, %eq3A_780 : vector<512x1024xi32>
    %and3A_782 = arith.andi %or3A_778, %eq3A_781 : vector<512x1024xi1>
    %convert_element_type3A_783 = arith.extui %and3A_782 : vector<512x1024xi1> to vector<512x1024xi32>
    %reduce_sum3A_784 = arith.constant dense<0> : vector<512xi32>
    %reduce_sum3A_785 = vector.multi_reduction <add>, %convert_element_type3A_783, %reduce_sum3A_784 [1] : vector<512x1024xi32> to vector<512xi32>
    %broadcast_in_dim3A_786 = vector.shape_cast %reduce_sum3A_785 : vector<512xi32> to vector<512x1xi32>
    %add3A_787 = arith.addi %add3A_764, %broadcast_in_dim3A_786 : vector<512x1xi32>
    %concatenate3A_788 = tpu.concatenate %add3A_633, %add3A_689, %add3A_745, %add3A_787 in 0 : vector<512x1xi32>, vector<512x1xi32>, vector<512x1xi32>, vector<512x1xi32> -> vector<2048x1xi32>
    %concatenate3A_789 = tpu.concatenate %concatenate3A, %concatenate3A_788 in 1 : vector<2048x1xi32>, vector<2048x1xi32> -> vector<2048x2xi32>
    %lt3A_790 = vector.broadcast %min3A_144 : i32 to vector<2048x2xi32>
    %lt3A_791 = arith.cmpi slt, %concatenate3A_789, %lt3A_790 : vector<2048x2xi32>
    %convert_element_type3A_792 = arith.extui %lt3A_791 : vector<2048x2xi1> to vector<2048x2xi32>
    %swap3A = arith.constant 0 : index
    %swap3A_793 = arith.constant 0 : index
    %swap3A_794 = vector.load %arg8[%swap3A, %swap3A_793] : memref<2048x2xi32, #tpu.memory_space<vmem>>, vector<2048x2xi32>
    tpu.vector_store %arg8[%swap3A, %swap3A_793], %convert_element_type3A_792 {strides = array<i32>} : memref<2048x2xi32, #tpu.memory_space<vmem>>, vector<2048x2xi32>,
    %jit3A_795 = arith.constant 0 : i32
    %broadcast_in_dim3A_796 = vector.broadcast %jit3A_795 : i32 to vector<2048x2xi32>
    %select_n3A_797 = arith.select %lt3A_791, %concatenate3A_789, %broadcast_in_dim3A_796 : vector<2048x2xi1>, vector<2048x2xi32>
    %swap3A_798 = arith.constant 0 : index
    %swap3A_799 = arith.constant 0 : index
    %swap3A_800 = vector.load %arg9[%swap3A_798, %swap3A_799] : memref<2048x2xi32, #tpu.memory_space<vmem>>, vector<2048x2xi32>
    tpu.vector_store %arg9[%swap3A_798, %swap3A_799], %select_n3A_797 {strides = array<i32>} : memref<2048x2xi32, #tpu.memory_space<vmem>>, vector<2048x2xi32>,
    %reduce_or3A = arith.constant 1.000000e+00 : f32
    %reduce_or3A_801 = arith.constant 0.000000e+00 : f32
    %reduce_or3A_802 = vector.broadcast %reduce_or3A : f32 to vector<2048x2xf32>
    %reduce_or3A_803 = vector.broadcast %reduce_or3A_801 : f32 to vector<2048x2xf32>
    %reduce_or3A_804 = arith.select %lt3A_791, %reduce_or3A_802, %reduce_or3A_803 : vector<2048x2xi1>, vector<2048x2xf32>
    %reduce_or3A_805 = arith.constant dense<0xFF800000> : vector<2048xf32>
    %reduce_or3A_806 = vector.multi_reduction <maximumf>, %reduce_or3A_804, %reduce_or3A_805 [1] : vector<2048x2xf32> to vector<2048xf32>
    %reduce_or3A_807 = arith.constant 0.000000e+00 : f32
    %reduce_or3A_808 = vector.broadcast %reduce_or3A_807 : f32 to vector<2048xf32>
    %reduce_or3A_809 = arith.cmpf ogt, %reduce_or3A_806, %reduce_or3A_808 : vector<2048xf32>
    %broadcast_in_dim3A_810 = vector.shape_cast %reduce_or3A_809 : vector<2048xi1> to vector<2048x1xi1>
    %not3A = arith.constant dense<true> : vector<2048x1xi1>
    %not3A_811 = arith.xori %broadcast_in_dim3A_810, %not3A : vector<2048x1xi1>
    %convert_element_type3A_812 = arith.extui %not3A_811 : vector<2048x1xi1> to vector<2048x1xi32>
    %swap3A_813 = arith.constant 0 : index
    %swap3A_814 = arith.constant 0 : index
    %swap3A_815 = vector.load %arg10[%swap3A_813, %swap3A_814] : memref<2048x1xi32, #tpu.memory_space<vmem>>, vector<2048x1xi32>
    tpu.vector_store %arg10[%swap3A_813, %swap3A_814], %convert_element_type3A_812 {strides = array<i32>} : memref<2048x1xi32, #tpu.memory_space<vmem>>, vector<2048x1xi32>,
    %iota3A_816 = tpu.iota {dimensions = array<i32: 1>} : vector<1x16xi32>
    %broadcast_in_dim3A_817 = arith.constant 0 : i32
    %broadcast_in_dim3A_818 = vector.broadcast %broadcast_in_dim3A_817 : i32 to vector<1x16xi32>
    %get3A_819 = arith.constant 0 : index
    %get3A_820 = arith.constant 0 : index
    %get3A_821 = vector.load %arg2[%get3A_819, %get3A_820] : memref<2048x2xi32, #tpu.memory_space<vmem>>, vector<2048x1xi32>
    %eq3A_822 = vector.broadcast %get3A_821 : vector<2048x1xi32> to vector<2048x16xi32>
    %eq3A_823 = vector.broadcast %iota3A_816 : vector<1x16xi32> to vector<2048x16xi32>
    %eq3A_824 = arith.cmpi eq, %eq3A_822, %eq3A_823 : vector<2048x16xi32>
    %convert_element_type3A_825 = arith.extui %eq3A_824 : vector<2048x16xi1> to vector<2048x16xi32>
    %reduce_sum3A_826 = arith.constant dense<0> : vector<16xi32>
    %reduce_sum3A_827 = vector.multi_reduction <add>, %convert_element_type3A_825, %reduce_sum3A_826 [0] : vector<2048x16xi32> to vector<16xi32>
    %broadcast_in_dim3A_828 = vector.shape_cast %reduce_sum3A_827 : vector<16xi32> to vector<1x16xi32>
    %add3A_829 = arith.addi %broadcast_in_dim3A_818, %broadcast_in_dim3A_828 : vector<1x16xi32>
    %get3A_830 = arith.constant 0 : index
    %get3A_831 = arith.constant 1 : index
    %get3A_832 = vector.load %arg2[%get3A_830, %get3A_831] : memref<2048x2xi32, #tpu.memory_space<vmem>>, vector<2048x1xi32>
    %eq3A_833 = vector.broadcast %get3A_832 : vector<2048x1xi32> to vector<2048x16xi32>
    %eq3A_834 = vector.broadcast %iota3A_816 : vector<1x16xi32> to vector<2048x16xi32>
    %eq3A_835 = arith.cmpi eq, %eq3A_833, %eq3A_834 : vector<2048x16xi32>
    %convert_element_type3A_836 = arith.extui %eq3A_835 : vector<2048x16xi1> to vector<2048x16xi32>
    %reduce_sum3A_837 = arith.constant dense<0> : vector<16xi32>
    %reduce_sum3A_838 = vector.multi_reduction <add>, %convert_element_type3A_836, %reduce_sum3A_837 [0] : vector<2048x16xi32> to vector<16xi32>
    %broadcast_in_dim3A_839 = vector.shape_cast %reduce_sum3A_838 : vector<16xi32> to vector<1x16xi32>
    %add3A_840 = arith.addi %add3A_829, %broadcast_in_dim3A_839 : vector<1x16xi32>
    %min3A_841 = vector.broadcast %min3A_144 : i32 to vector<1x16xi32>
    %min3A_842 = arith.minsi %add3A_840, %min3A_841 : vector<1x16xi32>
    %swap3A_843 = arith.constant 0 : index
    %swap3A_844 = arith.constant 0 : index
    %swap3A_845 = vector.load %arg11[%swap3A_843, %swap3A_844] : memref<1x16xi32, #tpu.memory_space<vmem>>, vector<1x16xi32>
    tpu.vector_store %arg11[%swap3A_843, %swap3A_844], %min3A_842 {strides = array<i32>} : memref<1x16xi32, #tpu.memory_space<vmem>>, vector<1x16xi32>,
    %get3A_846 = arith.constant 0 : index
    %get3A_847 = arith.constant 0 : index
    %get3A_848 = vector.load %arg7[%get3A_846, %get3A_847] : memref<1x16xf32, #tpu.memory_space<vmem>>, vector<1x16xf32>
    %mul3A_849 = arith.constant 4.8828125E-4 : f32
    %mul3A_850 = vector.broadcast %mul3A_849 : f32 to vector<1x16xf32>
    %mul3A_851 = arith.mulf %get3A_848, %mul3A_850 : vector<1x16xf32>
    %convert_element_type3A_852 = arith.sitofp %min3A_842 : vector<1x16xi32> to vector<1x16xf32>
    %div3A_853 = arith.constant 4.096000e+03 : f32
    %div3A_854 = vector.broadcast %div3A_853 : f32 to vector<1x16xf32>
    %div3A_855 = arith.divf %convert_element_type3A_852, %div3A_854 : vector<1x16xf32>
    %mul3A_856 = arith.mulf %mul3A_851, %div3A_855 : vector<1x16xf32>
    %reduce_sum3A_857 = vector.shape_cast %mul3A_856 : vector<1x16xf32> to vector<1x1x16xf32>
    %reduce_sum3A_858 = arith.constant dense<0.000000e+00> : vector<1xf32>
    %reduce_sum3A_859 = vector.multi_reduction <add>, %reduce_sum3A_857, %reduce_sum3A_858 [1, 2] : vector<1x1x16xf32> to vector<1xf32>
    %reduce_sum3A_860 = vector.shape_cast %reduce_sum3A_859 : vector<1xf32> to vector<1x1x1xf32>
    %reduce_sum3A_861 = vector.extract %reduce_sum3A_860[0, 0, 0] : f32 from vector<1x1x1xf32>
    %broadcast_in_dim3A_862 = vector.broadcast %reduce_sum3A_861 : f32 to vector<1x1xf32>
    %mul3A_863 = arith.constant 1.600000e-01 : f32
    %mul3A_864 = vector.broadcast %mul3A_863 : f32 to vector<1x1xf32>
    %mul3A_865 = arith.mulf %mul3A_864, %broadcast_in_dim3A_862 : vector<1x1xf32>
    %swap3A_866 = arith.constant 0 : index
    %swap3A_867 = arith.constant 0 : index
    %swap3A_868 = vector.load %arg12[%swap3A_866, %swap3A_867] : memref<1x1xf32, #tpu.memory_space<vmem>>, vector<1x1xf32>
    tpu.vector_store %arg12[%swap3A_866, %swap3A_867], %mul3A_865 {strides = array<i32>} : memref<1x1xf32, #tpu.memory_space<vmem>>, vector<1x1xf32>,
    return
  }
  func.func @transform_0(%arg0: i32) -> (i32, i32) {
    %c0_i32 = arith.constant 0 : i32
    %c0_i32_0 = arith.constant 0 : i32
    %c0_i32_1 = arith.constant 0 : i32
    return %c0_i32, %c0_i32_0 : i32, i32
  }
  func.func @transform_1(%arg0: i32) -> (i32, i32) {
    %c0_i32 = arith.constant 0 : i32
    %c0_i32_0 = arith.constant 0 : i32
    %c0_i32_1 = arith.constant 0 : i32
    return %c0_i32, %c0_i32_0 : i32, i32
  }
  func.func @transform_2(%arg0: i32) -> (i32, i32) {
    %c0_i32 = arith.constant 0 : i32
    %c0_i32_0 = arith.constant 0 : i32
    %c0_i32_1 = arith.constant 0 : i32
    return %c0_i32, %c0_i32_0 : i32, i32
  }
  func.func @transform_3(%arg0: i32) -> (i32, i32) {
    %c0_i32 = arith.constant 0 : i32
    %c0_i32_0 = arith.constant 0 : i32
    %c0_i32_1 = arith.constant 0 : i32
    return %c0_i32, %c0_i32_0 : i32, i32
  }
  func.func @transform_4(%arg0: i32) -> (i32, i32) {
    %c0_i32 = arith.constant 0 : i32
    %c0_i32_0 = arith.constant 0 : i32
    %c0_i32_1 = arith.constant 0 : i32
    return %c0_i32, %c0_i32_0 : i32, i32
  }
  func.func @transform_5(%arg0: i32) -> (i32, i32) {
    %c0_i32 = arith.constant 0 : i32
    %c0_i32_0 = arith.constant 0 : i32
    %c0_i32_1 = arith.constant 0 : i32
    return %c0_i32, %c0_i32_0 : i32, i32
  }
  func.func @transform_6(%arg0: i32) -> (i32, i32) {
    %c0_i32 = arith.constant 0 : i32
    %c0_i32_0 = arith.constant 0 : i32
    %c0_i32_1 = arith.constant 0 : i32
    return %c0_i32, %c0_i32_0 : i32, i32
  }
  func.func @transform_7(%arg0: i32) -> (i32, i32) {
    %c0_i32 = arith.constant 0 : i32
    %c0_i32_0 = arith.constant 0 : i32
    %c0_i32_1 = arith.constant 0 : i32
    return %c0_i32, %c0_i32_0 : i32, i32
  }
  func.func @transform_8(%arg0: i32) -> (i32, i32) {
    %c0_i32 = arith.constant 0 : i32
    %c0_i32_0 = arith.constant 0 : i32
    %c0_i32_1 = arith.constant 0 : i32
    return %c0_i32, %c0_i32_0 : i32, i32
  }
  func.func @transform_9(%arg0: i32) -> (i32, i32) {
    %c0_i32 = arith.constant 0 : i32
    %c0_i32_0 = arith.constant 0 : i32
    %c0_i32_1 = arith.constant 0 : i32
    return %c0_i32, %c0_i32_0 : i32, i32
  }
  func.func @transform_10(%arg0: i32) -> (i32, i32) {
    %c0_i32 = arith.constant 0 : i32
    %c0_i32_0 = arith.constant 0 : i32
    %c0_i32_1 = arith.constant 0 : i32
    return %c0_i32, %c0_i32_0 : i32, i32
  }
  func.func @transform_11(%arg0: i32) -> (i32, i32) {
    %c0_i32 = arith.constant 0 : i32
    %c0_i32_0 = arith.constant 0 : i32
    %c0_i32_1 = arith.constant 0 : i32
    return %c0_i32, %c0_i32_0 : i32, i32
  }
}

</mosaic_0001>

<sc_bundles>
// kernel: kernel.6.cloned.1.call-start
scs
__scs_entry_jumppad:
0x0: {  	(pc) =	sbr.rel $0x88, $3  }
0x1: {  	(tag) =	ssettag $0x0;
	lr =	simm.s32 $0x1  }
0x2: {  	[smem:$0x3F91] =	sst lr;
	_ =	strace $0xD0000000  }
0x3: {  	_ = 	snop  }
0x4: {  	_ = 	snop  }
0x5: {  	_ = 	snop  }
0x6: {  	_ = 	snop  }
0x7: {  	_ = 	snop  }
__scs_overlays_trampoline_lowered:
0x8: {  	[smem:$0x3FA0] =	sst s0  }
0x9: {  	[smem:$0x3FA1] =	sst s1  }
0xa: {  	[smem:$0x3FA2] =	sst s2  }
0xb: {  	[smem:$0x3FA3] =	sst s3  }
0xc: {  	[smem:$0x3FA4] =	sst s4  }
0xd: {  	[smem:$0x3FA5] =	sst s5  }
0xe: {  	[smem:$0x3FA6] =	sst s6  }
0xf: {  	[smem:$0x3FA7] =	sst s7  }
0x10: {  	[smem:$0x3FA8] =	sst s8  }
0x11: {  	[smem:$0x3FA9] =	sst s9;
	s0 =	simm.s32 @!p0 $0x0  }
0x12: {  	s1 =	sld [smem:$0x3F8F];
	s0 =	simm.s32 @p0 $0x1  }
0x13: {  	[smem:$0x3FAA] =	sst s0;
	s0 =	simm.s32 @!p1 $0x0  }
0x14: {  	s2 =	sld [smem:$0x3F8E];
	s0 =	simm.s32 @p1 $0x1  }
0x15: {  	[smem:$0x3FAB] =	sst s0;
	s0 =	simm.s32 @!p2 $0x0  }
0x16: {  	s3 =	sld [smem:$0x3FDB];
	s0 =	simm.s32 @p2 $0x1  }
0x17: {  	s4 =	simm.s32 $0x1BF5;
	[smem:$0x3FAD] =	sst s0  }
0x18: {  	s0 =	sld [smem:$0x3F90];
	_ =	swait.ge [sflag:s4], $0x0  }
0x19: {  	s7 =	sld [smem:$0x3F91]  }
0x1a: {  	s8 =	sadd.s32 $0xFFFFE003, lr  }
0x1b: {  	s9 =	sadd.s32 $0xFFFFFEF7, lr;
	s5 =	simm.s32 $0xFFFFFFFF;
	p2 =	slt.u32 s8, $0xFFFFF086  }
0x1c: {  	p1 =	slt.u32 s9, $0xF7A;
	s5 =	simm.s32 @!p2 $0x0  }
0x1d: {  	s5 =	simm.s32 @p1 $0x1;
	p0 =	seq.s32 s7, s2  }
0x1e: {  	s7 =	smul.u32 @!p0 $0xF7A, s2;
	p2 =	seq.s32 @!p0 s5, $0x0  }
0x1f: {  	s9 =	smul.u32 $0xF7A, s1;
	s8 =	simm.s32 @!p0 $0x1BF5;
	p2 =	por !p2, p0  }
0x20: {  	[sflag:s8] =	ssyncset.s32 @!p0 $0xFFFFF086;
	s6 =	sadd.s32 @!p0 s3, s7;
	s7 =	simm.s32 @!p0 $0x108  }
0x21: {  	s3 =	sadd.s32 s3, s9;
	s6 =	sadd.s32 @!p0 $0x88, s6;
	s7 =	simm.s32 @p2 $0x1082  }
0x22: {  	[simem:s7], [sflag:s8] =	dma.local @!p0 [hbm:s6], $0xF7A  }
0x23: {  	s9 =	sor.u32 $0xD0000000, s2;
	s6 =	simm.s32 $0x108;
	_ =	swait.ge @!p0 [sflag:s8], $0x0  }
0x24: {  	s3 =	sadd.s32 $0x88, s3;
	s6 =	simm.s32 @!p1 $0x1082;
	[sflag:s4] =	ssyncset.s32 $0xFFFFF086  }
0x25: {  	[simem:s6], [sflag:s4] =	dma.local [hbm:s3], $0xF7A  }
0x26: {  	[smem:$0x3F91] =	sst s1;
	(tag) =	ssettag s2;
	_ =	strace s9  }
0x27: {  	s1 =	sld [smem:$0x3FA1]  }
0x28: {  	s2 =	sld [smem:$0x3FA2]  }
0x29: {  	s4 =	sld [smem:$0x3FA4]  }
0x2a: {  	p0 =	seq.s32 s5, $0x0;
	s5 =	sld [smem:$0x3FA5]  }
0x2b: {  	s6 =	sld [smem:$0x3FA6]  }
0x2c: {  	s7 =	sld [smem:$0x3FA7]  }
0x2d: {  	s3 =	simm.s32 $0x108;
	s8 =	sld [smem:$0x3FA8]  }
0x2e: {  	s3 =	simm.s32 @!p0 $0x1082;
	s9 =	sld [smem:$0x3FA9]  }
0x2f: {  	lr =	sadd.s32 s0, s3;
	s0 =	sld [smem:$0x3FA0]  }
0x30: {  	s3 =	sld [smem:$0x3FA3]  }
0x31: {  	[smem:$0x3FAC] =	sst s10  }
0x32: {  	s10 =	sld [smem:$0x3FAA];
	_ =	sdelay $0x3  }
0x33: {  	p0 =	seq.s32 s10, $0x1;
	s10 =	sld [smem:$0x3FAC];
	_ =	sdelay $0x3  }
0x34: {  	[smem:$0x3FAC] =	sst s10  }
0x35: {  	s10 =	sld [smem:$0x3FAB];
	_ =	sdelay $0x3  }
0x36: {  	p1 =	seq.s32 s10, $0x1;
	s10 =	sld [smem:$0x3FAC];
	_ =	sdelay $0x3  }
0x37: {  	[smem:$0x3FAC] =	sst s10  }
0x38: {  	s10 =	sld [smem:$0x3FAD]  }
0x39: {  	_ = 	snop;
	(pc) =	sbr.ind lr, $3  }
0x3a: {  	_ = 	snop  }
0x3b: {  	_ = 	snop  }
0x3c: {  	p2 =	seq.s32 s10, $0x1;
	s10 =	sld [smem:$0x3FAC]  }
0x3d: {  	_ =	shalt  }
0x3e: {  	_ =	shalt  }
0x3f: {  	_ =	shalt  }
0x40: {  	_ =	shalt  }
0x41: {  	_ =	shalt  }
0x42: {  	_ =	shalt  }
0x43: {  	_ =	shalt  }
0x44: {  	_ =	shalt  }
0x45: {  	_ =	shalt  }
0x46: {  	_ =	shalt  }
0x47: {  	_ =	shalt  }
0x48: {  	_ =	shalt  }
0x49: {  	_ =	shalt  }
0x4a: {  	_ =	shalt  }
0x4b: {  	_ =	shalt  }
0x4c: {  	_ =	shalt  }
0x4d: {  	_ =	shalt  }
0x4e: {  	_ =	shalt  }
0x4f: {  	_ =	shalt  }
0x50: {  	_ =	shalt  }
0x51: {  	_ =	shalt  }
0x52: {  	_ =	shalt  }
0x53: {  	_ =	shalt  }
0x54: {  	_ =	shalt  }
0x55: {  	_ =	shalt  }
0x56: {  	_ =	shalt  }
0x57: {  	_ =	shalt  }
0x58: {  	_ =	shalt  }
0x59: {  	_ =	shalt  }
0x5a: {  	_ =	shalt  }
0x5b: {  	_ =	shalt  }
0x5c: {  	_ =	shalt  }
0x5d: {  	_ =	shalt  }
0x5e: {  	_ =	shalt  }
0x5f: {  	_ =	shalt  }
0x60: {  	_ =	shalt  }
0x61: {  	_ =	shalt  }
0x62: {  	_ =	shalt  }
0x63: {  	_ =	shalt  }
0x64: {  	_ =	shalt  }
0x65: {  	_ =	shalt  }
0x66: {  	_ =	shalt  }
0x67: {  	_ =	shalt  }
0x68: {  	_ =	shalt  }
0x69: {  	_ =	shalt  }
0x6a: {  	_ =	shalt  }
0x6b: {  	_ =	shalt  }
0x6c: {  	_ =	shalt  }
0x6d: {  	_ =	shalt  }
0x6e: {  	_ =	shalt  }
0x6f: {  	_ =	shalt  }
0x70: {  	_ =	shalt  }
0x71: {  	_ =	shalt  }
0x72: {  	_ =	shalt  }
0x73: {  	_ =	shalt  }
0x74: {  	_ =	shalt  }
0x75: {  	_ =	shalt  }
0x76: {  	_ =	shalt  }
0x77: {  	_ =	shalt  }
0x78: {  	_ =	shalt  }
0x79: {  	_ =	shalt  }
0x7a: {  	_ =	shalt  }
0x7b: {  	_ =	shalt  }
0x7c: {  	_ =	shalt  }
0x7d: {  	_ =	shalt  }
0x7e: {  	_ =	shalt  }
0x7f: {  	_ =	shalt  }
0x80: {  	_ =	shalt  }
0x81: {  	_ =	shalt  }
0x82: {  	_ =	shalt  }
0x83: {  	_ =	shalt  }
0x84: {  	_ =	shalt  }
0x85: {  	_ =	shalt  }
0x86: {  	_ =	shalt  }
0x87: {  	_ =	shalt  }
.Lfunc_end0:
.L_simem_size_0:
called_computation_lowered:
.L_overlay_start_0:
0x88: {  	s2 =	sld [smem:$0x3FD9]  }
0x89: {  	s3 =	sld [smem:$0x3FFE];
	_ =	sdelay $0x1  }
0x8a: {  	s1 =	srdreg.scid  }
0x8b: {  	s0 =	sand.u32 $0x1, s1  }
0x8c: {  	s17 =	sshll.u32 s0, $0xA;
	s2 =	sadd.s32 s3, s2  }
0x8d: {  	s2 =	sadd.s32 s2, s17  }
0x8e: {  	[smem:$0x3FB8] =	sst s2  }
0x8f: {  	_ = 	snop  }
0x90: {  	s2 =	sld [smem:$0x3FC8];
	(tm) =	ssettm $0x1  }
0x91: {  	s18 =	sld [smem:$0x3FFB];
	_ =	sdelay $0x3  }
0x92: {  	_ =	strace s18  }
0x93: {  	s3 =	sld [smem:$0x3FFC];
	_ =	sdelay $0x3  }
0x94: {  	_ =	strace s3  }
0x95: {  	s3 =	sld [smem:$0x3FFD];
	_ =	sdelay $0x3  }
0x96: {  	_ =	strace s3  }
0x97: {  	_ =	strace $0x8FFFFFFF  }
0x98: {  	s19 =	sld [smem:$0x3FDB];
	_ =	sdelay $0x1  }
0x99: {  	s4 =	simm.s32 $_scs_section_size  }
0x9a: {  	s5 =	simm.s32 $_size__tile_overlayer_lowered;
	s6 =	simm.s32 $_tile_overlayer_lowered  }
0x9b: {  	s22 =	simm.s32 $0x1BFF;
	s21 =	sshll.u32 s6, $0x1;
	s3 =	sadd.s32 s4, s19  }
0x9c: {  	s7 =	simm.s32 $0x0;
	s20 =	sshll.u32 s5, $0x1;
	s5 =	sadd.s32 s21, s3  }
0x9d: {  	[timem:s7], [sflag:s22] =	dma.local [hbm:s5], s20  }
0x9e: {  	_ =	swait.ge [sflag:s22], s20  }
0x9f: {  	s4 =	ssub.s32 $0x0, s20;
	[sflag:s22] =	ssyncset.done $0x0  }
0xa0: {  	[sflag:s22] =	ssyncadd.s32 s4;
	_ =	sdelay $0x1  }
0xa1: {  	s23 =	simm.s32 $0x1B8B  }
0xa2: {  	_ =	swait.ge [sflag:s23], $0x1  }
0xa3: {  	[sflag:s23] =	ssyncset.done $0x0  }
0xa4: {  	s25 =	simm.s32 $0x1B8E;
	s24 =	sld [smem:$0x3FFE];
	[sflag:s23] =	ssyncadd.s32 $0xFFFFFFFF  }
0xa5: {  	s26 =	simm.s32 $execute0_lowered;
	[smem:$0x3FD2] =	sst s25  }
0xa6: {  	s5 =	sshll.u32 s26, $0x1;
	_ =	strace $0x80000046;
	[dreg:$0x1] =	wrdreg $0xFFFFFFFF  }
0xa7: {  	s28 =	simm.s32 $_size_execute0_lowered;
	s3 =	sadd.s32 s3, s5;
	[dreg:$0x0] =	wrdreg $0x0  }
0xa8: {  	s5 =	sshll.u32 s28, $0x1;
	[dreg:$0x2] =	wrdreg s3  }
0xa9: {  	[dreg:$0x3] =	wrdreg s5  }
0xaa: {  	[dreg:$0x4] =	wrdreg $0xC0  }
0xab: {  	_ =	task [dreg:s7], $0x5FFFF  }
0xac: {  	[dreg:$0x1] =	wrdreg $0xFFFFFFFF  }
0xad: {  	[dreg:$0x0] =	wrdreg $0x60  }
0xae: {  	[dreg:$0x2] =	wrdreg s24  }
0xaf: {  	[dreg:$0x3] =	wrdreg s2  }
0xb0: {  	[dreg:$0x4] =	wrdreg $0x9  }
0xb1: {  	_ =	task.clear_ibuf [dreg:s7], $0x5FFFF;
	_ =	strace $0x90000046  }
0xb2: {  	s29 =	simm.s32 $0x9;
	_ =	strace $0x8000004D  }
0xb3: {  	_ =	swait.ge [sflag:s29], $0x1  }
0xb4: {  	[sflag:s29] =	ssyncadd.s32 $0xFFFFFFFF  }
0xb5: {  	_ =	strace $0x9000004D  }
0xb6: {  	_ =	sfence  }
0xb7: {  	s30 =	sld [smem:$0x0];
	_ =	sdelay $0x2  }
0xb8: {  	s31 =	sshll.u32 s1, $0xD;
	s1 =	sshrl.u32 s1, $0x2  }
0xb9: {  	s3 =	sand.u32 $0x4000, s31;
	s1 =	sadd.s32 s1, s30  }
0xba: {  	s0 =	sor.u32 s3, s0;
	s1 =	sshll.u32 s1, $0x11  }
0xbb: {  	s0 =	sor.u32 s1, s0  }
0xbc: {  	s0 =	sadd.s32 $0x8F2B, s0  }
0xbd: {  	[sflag:s0] =	ssyncadd.remote.s32 $0x1  }
0xbe: {  	_ =	sfence.sel $0xFFFF  }
0xbf: {  	[dreg:$0x0] =	wrdreg $0xFFFFFFFF;
	(pc) =	sbr.abs _section_cstart, $3  }
0xc0: {  	[dreg:$0x1] =	wrdreg $0xFFFFFFFF  }
0xc1: {  	_ =	task.clear_ibuf [dreg:s7], $0x2FFFF;
	_ =	strace $0x9FFFFFFF  }
0xc2: {  	(tm) =	ssettm $0x7FFFFFFF  }
0xc3: {  	_ =	shalt  }
tec
execute0_lowered:
.L_overlay_start_1:
0x0: {  	(tag) =	ssettag $0x1  }
0x1: {  	s9 =	rddreg [dreg:$0x0]  }
0x2: {  	s3 =	rddreg [dreg:$0x1];
	s2 =	simm.s32 $0x0  }
0x3: {  	s1 =	stileid.u32;
	[smem:$0x7FF] =	sst s2  }
0x4: {  	s0 =	rddreg [dreg:$0x2];
	s4 =	sshll.u32 s1, $0x4;
	_ =	strace $0x80000047  }
0x5: {  	s3 =	sadd.s32 s3, s4;
	_ =	strace $0x80000048  }
0x6: {  	[tilespmem:s2], [sflag:$0x1] =	stream.linear.gather [hbm4b:s3+s2], $0x80, $0x200038;
	[tilespmem:$0x8100] =	vst v63  }
0x7: {  	_ =	strace $0x90000048  }
0x8: {  	s4 =	simm.s32 $0x1;
	_ =	strace $0x80000049  }
0x9: {  	_ =	swait.ge [sflag:s4], $0x80  }
0xa: {  	s6 =	simm.s32 $0x80;
	[sflag:s4] =	ssyncset.done $0x0  }
0xb: {  	s7 =	simm.s32 $0x100;
	s8 =	simm.s32 $0x5;
	[sflag:s4] =	ssyncadd.s32 $0xFFFFFF80  }
0xc: {  	s11 =	srdreg.scid;
	s5 =	sadd.s32 $0x1A00, s9;
	_ =	strace $0x90000049  }
0xd: {  	s10 =	sshll.u32 s1, $0xB;
	s30 =	sand.u32 $0x1, s11;
	_ =	strace $0x8000004A  }
0xe: {  	[tilespmem:s7], [sflag:$0x5] =	stream.indirect.gather [hbm4b:s5+s6], $0x80, s2, s6, $0x2000b8;
	[tilespmem:$0x8100] =	vst v63  }
0xf: {  	s9 =	sadd.s32 s10, s9;
	s10 =	ssub.s32 $0x2, s30;
	_ =	swait.ge [sflag:s8], $0x4000  }
0x10: {  	s31 =	sshrl.u32 s10, $0x1;
	[sflag:s8] =	ssyncset.done $0x0  }
0x11: {  	s11 =	ssub.s32 s10, s31;
	[sflag:s8] =	ssyncadd.s32 $0xFFFFC000  }
0x12: {  	s11 =	smax.u32 s11, $0x1;
	_ =	strace $0x9000004A  }
0x13: {  	s9 =	sadd.s32 $0x11A00, s9;
	p0 =	sne.s32 s11, $0x1;
	_ =	strace $0x8000004B  }
0x14: {  	[hbm4b:s9+s2] =	stream.linear.scatter [tilespmem:s7], [sflag:$0x3], $0x4000, $0x200038;
	[tilespmem:$0x8100] =	vst v63  }
.Ltmp0:
0x15: {  	_ =	strace $0x9000004B;
	(pc) =	sbr.rel @!p0 .LBB2_2-.Ltmp0, $4  }
0x16: {  	s10 =	simm.s32 $0x3;
	_ =	strace $0x8000004C  }
0x17: {  	_ =	swait.ge [sflag:s10], $0x4000  }
0x18: {  	[sflag:s10] =	ssyncset.done $0x0  }
0x19: {  	s11 =	sadd.s32 $0xFFFFFFFF, s11;
	[sflag:s10] =	ssyncadd.s32 $0xFFFFC000  }
.LBB2_1:
0x1a: {  	p0 =	sne.s32 s11, $0x1;
	s11 =	sadd.s32 $0xFFFFFFFF, s11;
	_ =	strace $0x9000004C  }
0x1b: {  	_ =	strace $0x80000048  }
0x1c: {  	[tilespmem:s2], [sflag:$0x1] =	stream.linear.gather [hbm4b:s3+s2], $0x80, $0x200038;
	[tilespmem:$0x8100] =	vst v63  }
0x1d: {  	_ =	strace $0x90000048  }
0x1e: {  	_ =	strace $0x80000049  }
0x1f: {  	_ =	swait.ge [sflag:s4], $0x80  }
0x20: {  	[sflag:s4] =	ssyncset.done $0x0  }
0x21: {  	[sflag:s4] =	ssyncadd.s32 $0xFFFFFF80  }
0x22: {  	_ =	strace $0x90000049  }
0x23: {  	_ =	strace $0x8000004A  }
0x24: {  	[tilespmem:s7], [sflag:$0x5] =	stream.indirect.gather [hbm4b:s5+s6], $0x80, s2, s6, $0x2000b8;
	[tilespmem:$0x8100] =	vst v63  }
0x25: {  	_ =	swait.ge [sflag:s8], $0x4000  }
0x26: {  	[sflag:s8] =	ssyncset.done $0x0  }
0x27: {  	[sflag:s8] =	ssyncadd.s32 $0xFFFFC000  }
0x28: {  	_ =	strace $0x9000004A  }
0x29: {  	_ =	strace $0x8000004B  }
0x2a: {  	[hbm4b:s9+s2] =	stream.linear.scatter [tilespmem:s7], [sflag:$0x3], $0x4000, $0x200038;
	[tilespmem:$0x8100] =	vst v63  }
.Ltmp1:
0x2b: {  	_ =	strace $0x9000004B;
	(pc) =	sbr.rel @p0 .LBB2_1-.Ltmp1, $4  }
0x2c: {  	_ =	strace $0x8000004C  }
0x2d: {  	_ =	swait.ge [sflag:s10], $0x4000  }
0x2e: {  	[sflag:s10] =	ssyncset.done $0x0  }
0x2f: {  	[sflag:s10] =	ssyncadd.s32 $0xFFFFC000  }
.LBB2_2:
0x30: {  	_ =	strace $0x9000004C  }
0x31: {  	_ =	sfence.sel $0x180000  }
0x32: {  	[bflag:$0x0] =	sbarrier.arrive $0xFFFF  }
0x33: {  	p0 =	sne.s32 s1, $0x0;
	_ =	strace $0x90000047  }
0x34: {  	s0 =	sadd.s32 @!p0 $0x100000, s0;
	[bflag:$0x2] =	sbarrier.arrive $0xFFFF  }
0x35: {  	[sflag:s0] =	ssyncadd.tile.s32 @!p0 $0x1;
	_ =	shalt  }
.Lfunc_end2:
_tile_overlayer_lowered:
.L_overlay_start_2:
0x36: {  	(tag) =	ssettag $0x2  }
0x37: {  	s0 =	rddreg [dreg:$0x0];
	s2 =	stileid.u32  }
0x38: {  	s1 =	rddreg [dreg:$0x1];
	p0 =	sne.s32 s2, $0x0  }
0x39: {  	s3 =	rddreg [dreg:$0x2];
	[bflag:$0x3] =	sbarrier.arrive $0xFFFF;
	s2 =	simm.s32 @!p0 $0x1C01  }
0x3a: {  	[timem:s3], [sflag:s2] =	dma.local @!p0 [hbm:s0], s1  }
0x3b: {  	s0 =	simm.s32 @!p0 $0x1  }
0x3c: {  	_ =	swait.ge @!p0 [sflag:s0], s1  }
0x3d: {  	s1 =	ssub.s32 @!p0 $0x0, s1;
	[sflag:s0] =	ssyncset.done @!p0 $0x0  }
0x3e: {  	[sflag:s0] =	ssyncadd.s32 @!p0 s1  }
0x3f: {  	[bflag:$0x3] =	sbarrier.arrive $0xFFFF  }
0x40: {  	_ =	shalt  }

</sc_bundles>
